<compile_context>
chip_gen: v7x
topology: tpu7x:2x2x1
jax: 0.10.2.dev20260603
libtpu: 0.0.44.dev20260713+nightly
codegen_flags: <defaults>
</compile_context>

<pallas_src>
import functools

import jax
import jax.numpy as jnp
from jax import lax
from jax.experimental import pallas as pl
from jax.experimental.pallas import tpu as pltpu
from jax.experimental.pallas import tpu_sc as plsc

NSAMPLE = 16
_KNN_T = 512
_MLP_T = 512
_PROJ_T = 2048



def _knn_body(q_ref, k_ref, o_ref, *, n, nsample):
    x = q_ref[0]
    y = k_ref[0]
    t = x.shape[0]
    dot = lax.dot_general(x.astype(jnp.bfloat16), y.astype(jnp.bfloat16),
                          (((1,), (0,)), ((), ())),
                          preferred_element_type=jnp.float32)
    n1 = (x[:, 0:1] * x[:, 0:1] + x[:, 1:2] * x[:, 1:2]) + x[:, 2:3] * x[:, 2:3]
    n2 = (y[0:1, :] * y[0:1, :] + y[1:2, :] * y[1:2, :]) + y[2:3, :] * y[2:3, :]
    d = (-2.0 * dot + n1) + n2
    kd = lax.bitcast_convert_type(jnp.maximum(d, 0.0), jnp.int32)
    iota = lax.broadcasted_iota(jnp.int32, (t, n), 1)
    key = jnp.bitwise_or(jnp.bitwise_and(kd, -4096), iota)
    cols = []
    for _ in range(nsample - 1):
        m = jnp.min(key, axis=1, keepdims=True)
        cols.append(jnp.bitwise_and(m, 4095))
        key = jnp.where(key == m, jnp.int32(2147483647), key)
    d2 = jnp.where(key == jnp.int32(2147483647), jnp.inf, d)
    for _ in range(1):
        m = jnp.min(d2, axis=1, keepdims=True)
        cand = jnp.where(d2 == m, iota, n)
        idxj = jnp.min(cand, axis=1, keepdims=True)
        cols.append(idxj)
        d2 = jnp.where(iota == idxj, jnp.inf, d2)
    o_ref[0] = jnp.concatenate(cols, axis=1)


def _knn(qpts, kpts, nsample):
    g, n, _ = qpts.shape
    t = _KNN_T
    return pl.pallas_call(
        functools.partial(_knn_body, n=n, nsample=nsample),
        grid=(g, n // t),
        in_specs=[
            pl.BlockSpec((1, t, 3), lambda d, i: (d, i, 0)),
            pl.BlockSpec((1, 3, n), lambda d, i: (d, 0, 0)),
        ],
        out_specs=pl.BlockSpec((1, t, nsample), lambda d, i: (d, i, 0)),
        out_shape=jax.ShapeDtypeStruct((g, n, nsample), jnp.int32),
    )(qpts, kpts)



def _proj_body(p_ref, x_ref, w_ref, o_ref, *, d_in):
    w = w_ref[...]
    wb = w[:, d_in:2 * d_in]
    wc = w[:, 2 * d_in:]
    s = (lax.dot_general(p_ref[...], wb, (((1,), (1,)), ((), ())),
                         preferred_element_type=jnp.float32)
         + lax.dot_general(x_ref[...], wc, (((1,), (1,)), ((), ())),
                           preferred_element_type=jnp.float32))
    o_ref[...] = s


def _proj(pts, xyz, w):
    m, d_in = pts.shape
    cout = w.shape[0]
    t = _PROJ_T
    return pl.pallas_call(
        functools.partial(_proj_body, d_in=d_in),
        grid=(m // t,),
        in_specs=[
            pl.BlockSpec((t, d_in), lambda i: (i, 0)),
            pl.BlockSpec((t, 3), lambda i: (i, 0)),
            pl.BlockSpec(w.shape, lambda i: (0, 0)),
        ],
        out_specs=pl.BlockSpec((t, cout), lambda i: (i, 0)),
        out_shape=jax.ShapeDtypeStruct((m, cout), jnp.float32),
    )(pts, xyz, w)



def _gather_rows(table, idx):
    v, d = table.shape
    (m,) = idx.shape
    info = plsc.get_sparse_core_info()
    nc, ns = info.num_cores, info.num_subcores
    nw = nc * ns
    b_per_w = m // nw
    chunk = min(b_per_w, 128)

    @functools.partial(
        pl.kernel,
        out_type=jax.ShapeDtypeStruct((m, d), table.dtype),
        mesh=plsc.VectorSubcoreMesh(core_axis_name="c", subcore_axis_name="s"),
        scratch_types=[
            pltpu.VMEM((b_per_w,), jnp.int32),
            pltpu.VMEM((chunk, d), table.dtype),
            pltpu.VMEM((chunk, d), table.dtype),
            pltpu.SemaphoreType.DMA,
            pltpu.SemaphoreType.DMA,
            pltpu.SemaphoreType.DMA,
            pltpu.SemaphoreType.DMA,
        ],
    )
    def gk(table_hbm, idx_hbm, out_hbm, idx_v, rows_a, rows_b,
           sem_a, sem_b, osem_a, osem_b):
        wid = lax.axis_index("s") * nc + lax.axis_index("c")
        base = wid * b_per_w
        pltpu.sync_copy(idx_hbm.at[pl.ds(base, b_per_w)], idx_v)

        def body(i, carry):
            c0 = i * (2 * chunk)
            ga = pltpu.async_copy(
                table_hbm.at[idx_v.at[pl.ds(c0, chunk)]], rows_a, sem_a)
            gb = pltpu.async_copy(
                table_hbm.at[idx_v.at[pl.ds(c0 + chunk, chunk)]], rows_b, sem_b)
            ga.wait()
            wa = pltpu.async_copy(rows_a, out_hbm.at[pl.ds(base + c0, chunk)],
                                  osem_a)
            gb.wait()
            wb = pltpu.async_copy(rows_b,
                                  out_hbm.at[pl.ds(base + c0 + chunk, chunk)],
                                  osem_b)
            wa.wait()
            wb.wait()
            return carry

        lax.fori_loop(0, b_per_w // (2 * chunk), body, 0)

    return gk(table, idx)



def _leaky(x):
    return jnp.where(x > 0, x, 0.1 * x)


def _mlp_body(*refs, d_in, nlayers, nsample):
    p_ref, x_ref, g_ref = refs[0], refs[1], refs[2]
    w0_ref, b0_ref = refs[3], refs[4]
    lrefs = refs[5:5 + 2 * nlayers]
    o_ref = refs[5 + 2 * nlayers]
    w0 = w0_ref[...]
    wa = w0[:, :d_in]
    wc = w0[:, 2 * d_in:]
    q = (lax.dot_general(p_ref[...], wa, (((1,), (1,)), ((), ())),
                         preferred_element_type=jnp.float32)
         - lax.dot_general(x_ref[...], wc, (((1,), (1,)), ((), ())),
                           preferred_element_type=jnp.float32)
         + b0_ref[...])
    t, cout = q.shape
    g = g_ref[...].astype(jnp.float32)
    h3 = g.reshape(t, nsample, cout) + q[:, None, :]
    h = _leaky(h3).reshape(t * nsample, cout)
    for li in range(nlayers):
        w = lrefs[2 * li][...].astype(jnp.bfloat16)
        b = lrefs[2 * li + 1][...]
        h = _leaky(lax.dot_general(h.astype(jnp.bfloat16), w,
                                   (((1,), (1,)), ((), ())),
                                   preferred_element_type=jnp.float32) + b)
    o_ref[...] = jnp.max(h.reshape(t, nsample, cout), axis=1)


def _mlp(pts_q, xyz_q, g, w0, b0, layers, nsample):
    m, d_in = pts_q.shape
    cout = w0.shape[0]
    t = _MLP_T
    nlayers = len(layers)
    operands = [pts_q, xyz_q, g, w0, b0.reshape(1, cout)]
    in_specs = [
        pl.BlockSpec((t, d_in), lambda i: (i, 0)),
        pl.BlockSpec((t, 3), lambda i: (i, 0)),
        pl.BlockSpec((t * nsample, cout), lambda i: (i, 0)),
        pl.BlockSpec(w0.shape, lambda i: (0, 0)),
        pl.BlockSpec((1, cout), lambda i: (0, 0)),
    ]
    for w, b in layers:
        operands += [w, b.reshape(1, cout)]
        in_specs += [pl.BlockSpec(w.shape, lambda i: (0, 0)),
                     pl.BlockSpec((1, cout), lambda i: (0, 0))]
    return pl.pallas_call(
        functools.partial(_mlp_body, d_in=d_in, nlayers=nlayers,
                          nsample=nsample),
        grid=(m // t,),
        in_specs=in_specs,
        out_specs=pl.BlockSpec((t, cout), lambda i: (i, 0)),
        out_shape=jax.ShapeDtypeStruct((m, cout), jnp.float32),
    )(*operands)



def kernel(pc1, pc2, feat1, feat2, W1_0, b1_0, W1_1, b1_1, W1_2, b1_2,
           W2_0, b2_0, W2_1, b2_1):
    b, _, n = pc1.shape
    c = feat1.shape[1]
    k = NSAMPLE
    p1 = jnp.transpose(pc1, (0, 2, 1))
    p2 = jnp.transpose(pc2, (0, 2, 1))
    f1 = jnp.transpose(feat1, (0, 2, 1))
    f2 = jnp.transpose(feat2, (0, 2, 1))

    spts = jnp.concatenate([f2, f1], 0).reshape(2 * b * n, c)
    sxyz = jnp.concatenate([p2, p1], 0).reshape(2 * b * n, 3)
    s12 = _proj(spts, sxyz, W1_0)

    offs = (jnp.arange(b, dtype=jnp.int32) * n)[:, None, None]
    idx1 = _knn(p2, pc1, k)
    g1 = _gather_rows(s12, (idx1 + offs + b * n).reshape(-1))
    idx0 = _knn(p1, pc2, k)
    g0 = _gather_rows(s12, (idx0 + offs).reshape(-1))
    out1 = _mlp(f2.reshape(b * n, c), p2.reshape(b * n, 3), g1,
                W1_0, b1_0, [(W1_1, b1_1), (W1_2, b1_2)], k)
    feat2_new = out1.reshape(b, n, -1)

    cn = feat2_new.shape[-1]
    s3 = _proj(feat2_new.reshape(b * n, cn), p2.reshape(b * n, 3), W2_0)
    g3 = _gather_rows(s3, (idx0 + offs).reshape(-1))
    out0 = _mlp(f1.reshape(b * n, c), p1.reshape(b * n, 3), g0,
                W1_0, b1_0, [(W1_1, b1_1), (W1_2, b1_2)], k)
    feat1_new = out0.reshape(b, n, -1)
    out3 = _mlp(feat1_new.reshape(b * n, cn), p1.reshape(b * n, 3), g3,
                W2_0, b2_0, [(W2_1, b2_1)], k)

    to_cn = lambda x: jnp.transpose(x, (0, 2, 1))
    return (to_cn(feat1_new), to_cn(feat2_new),
            to_cn(out3.reshape(b, n, -1)))

# --- scband reference (transcript-rebuilt; emitter-appended) ---
"""Pipeline reference for scband-cross-layer-25220047962582 (READ-ONLY COPY).

The authoritative reference and input builder live on the scoring server;
editing this copy changes nothing except your own understanding.
"""

import jax, jax.numpy as jnp
import numpy as np

NSAMPLE = 16

def _gather(points, idx):
    # points: [B, N, C], idx: [B, M, K] -> [B, M, K, C]
    return jax.vmap(lambda p, i: p[i])(points, idx)

def _cross(xyz1, xyz2, points1, points2, params, nsample):
    # xyz*: [B, 3, N], points*: [B, D, N]
    x1 = jnp.transpose(xyz1, (0, 2, 1))
    x2 = jnp.transpose(xyz2, (0, 2, 1))
    p1 = jnp.transpose(points1, (0, 2, 1))
    p2 = jnp.transpose(points2, (0, 2, 1))
    dist = (-2.0 * jnp.einsum('bnc,bmc->bnm', x1, x2)
            + jnp.sum(x1 ** 2, -1)[:, :, None]
            + jnp.sum(x2 ** 2, -1)[:, None, :])
    _, knn_idx = jax.lax.top_k(-dist, nsample)  # smallest distances
    neighbor_xyz = _gather(x2, knn_idx)                      # [B, N1, K, 3]
    direction_xyz = neighbor_xyz - x1[:, :, None, :]
    gp2 = _gather(p2, knn_idx)                               # [B, N1, K, D2]
    gp1 = jnp.broadcast_to(p1[:, :, None, :], (p1.shape[0], p1.shape[1], nsample, p1.shape[2]))
    new = jnp.concatenate([gp1, gp2, direction_xyz], axis=-1)  # [B, N1, K, Ct]
    for W, b in params:
        new = jnp.einsum('bnkc,oc->bnko', new, W) + b
        new = jnp.where(new > 0, new, 0.1 * new)  # LeakyReLU(0.1)
    out = jnp.max(new, axis=2)                               # max-pool over K
    return jnp.transpose(out, (0, 2, 1))                     # [B, C_out, N1]

def setup_inputs(seed: int = 0):
    key = jax.random.key(seed)
    ks = jax.random.split(key, 16)
    B, N, C = 2, 4096, 64
    inp = {
        'pc1': jax.random.normal(ks[0], (B, 3, N), jnp.float32),
        'pc2': jax.random.normal(ks[1], (B, 3, N), jnp.float32),
        'feat1': jax.random.normal(ks[2], (B, C, N), jnp.float32),
        'feat2': jax.random.normal(ks[3], (B, C, N), jnp.float32),
    }
    dims1 = [(131, 128), (128, 128), (128, 128)]  # in_channel*2+3 = 131
    dims2 = [(259, 128), (128, 128)]              # mlp1[-1]*2+3 = 259
    i = 4
    for j, (cin, cout) in enumerate(dims1):
        inp['W1_%d' % j] = jax.random.normal(ks[i], (cout, cin), jnp.float32) * (1.0 / np.sqrt(cin)); i += 1
        inp['b1_%d' % j] = jnp.zeros((cout,), jnp.float32)
    for j, (cin, cout) in enumerate(dims2):
        inp['W2_%d' % j] = jax.random.normal(ks[i], (cout, cin), jnp.float32) * (1.0 / np.sqrt(cin)); i += 1
        inp['b2_%d' % j] = jnp.zeros((cout,), jnp.float32)
    return inp

def reference(pc1, pc2, feat1, feat2, W1_0, b1_0, W1_1, b1_1, W1_2, b1_2, W2_0, b2_0, W2_1, b2_1):
    mlp1 = [(W1_0, b1_0), (W1_1, b1_1), (W1_2, b1_2)]
    mlp2 = [(W2_0, b2_0), (W2_1, b2_1)]
    feat1_new = _cross(pc1, pc2, feat1, feat2, mlp1, NSAMPLE)
    feat2_new = _cross(pc2, pc1, feat2, feat1, mlp1, NSAMPLE)
    feat1_final = _cross(pc1, pc2, feat1_new, feat2_new, mlp2, NSAMPLE)
    return (feat1_new, feat2_new, feat1_final)

if __name__ == "__main__":
    import jax
    _d = setup_inputs()
    print(jax.jit(kernel)(*tuple(_d.values())))

</pallas_src>

<mosaic_0001>
#map = affine_map<(d0, d1) -> (0, 0)>
#map1 = affine_map<(d0, d1) -> (0)>
module attributes {stable_mosaic.version = 14 : i64} {
  func.func @gk(%arg0: i32, %arg1: i32, %arg2: memref<16384x128xf32, #tpu.memory_space<hbm>>, %arg3: memref<131072xi32, #tpu.memory_space<hbm>>, %arg4: memref<131072x128xf32, #tpu.memory_space<hbm>>, %arg5: memref<4096xi32, #tpu.memory_space<vmem>>, %arg6: memref<128x128xf32, #tpu.memory_space<vmem>>, %arg7: memref<128x128xf32, #tpu.memory_space<vmem>>, %arg8: memref<!tpu.dma_semaphore, #tpu.memory_space<semaphore_mem>>, %arg9: memref<!tpu.dma_semaphore, #tpu.memory_space<semaphore_mem>>, %arg10: memref<!tpu.dma_semaphore, #tpu.memory_space<semaphore_mem>>, %arg11: memref<!tpu.dma_semaphore, #tpu.memory_space<semaphore_mem>>) attributes {dimension_semantics = [#tpu.dimension_semantics<core_parallel>, #tpu.dimension_semantics<subcore_parallel>], iteration_bounds = array<i64: 2, 16>, scalar_prefetch = 0 : i64, scratch_operands = 7 : i64, tpu.core_type = #tpu.core_type<sc_vector_subcore>, window_params = [{transform_indices = #map}, {transform_indices = #map1}, {transform_indices = #map}]} {
    %mul3A = arith.constant 2 : i32
    %mul3A_0 = arith.muli %arg1, %mul3A : i32
    %add3A = arith.addi %mul3A_0, %arg0 : i32
    %mul3A_1 = arith.constant 4096 : i32
    %mul3A_2 = arith.muli %add3A, %mul3A_1 : i32
    "tpu.region"() ({
      %run_scoped3A = tpu.sem_alloc : memref<!tpu.dma_semaphore, #tpu.memory_space<semaphore_mem>>
      %dma_start3A = tpu.memref_slice %arg3[%mul3A_2] : memref<131072xi32, #tpu.memory_space<hbm>> -> memref<4096xi32, #tpu.memory_space<hbm>>
      %dma_start3A_8 = tpu.memref_slice %arg3[%mul3A_2] : memref<131072xi32, #tpu.memory_space<hbm>> -> memref<4096xi32, #tpu.memory_space<hbm>>
      tpu.enqueue_dma source(%dma_start3A_8 : memref<4096xi32, #tpu.memory_space<hbm>>) target(%arg5 : memref<4096xi32, #tpu.memory_space<vmem>>) target_semaphore(%run_scoped3A : memref<!tpu.dma_semaphore, #tpu.memory_space<semaphore_mem>>)
      %dma_wait3A = tpu.memref_slice %arg3[%mul3A_2] : memref<131072xi32, #tpu.memory_space<hbm>> -> memref<4096xi32, #tpu.memory_space<hbm>>
      %dma_wait3A_9 = tpu.memref_slice %arg3[%mul3A_2] : memref<131072xi32, #tpu.memory_space<hbm>> -> memref<4096xi32, #tpu.memory_space<hbm>>
      tpu.wait_dma2 semaphore(%run_scoped3A : memref<!tpu.dma_semaphore, #tpu.memory_space<semaphore_mem>>) src(%dma_wait3A_9 : memref<4096xi32, #tpu.memory_space<hbm>>) dst(%arg5 : memref<4096xi32, #tpu.memory_space<vmem>>)
      tpu.yield
    }) : () -> ()
    %scan3A = arith.constant 0 : i32
    %scan3A_3 = arith.constant 0 : i32
    %scan3A_4 = arith.constant 16 : i32
    %scan3A_5 = arith.addi %scan3A_3, %scan3A_4 : i32
    %scan3A_6 = arith.constant 1 : i32
    scf.for %scan3A_8 = %scan3A_3 to %scan3A_5 step %scan3A_6  : i32 {
      %mul3A_9 = arith.constant 256 : i32
      %mul3A_10 = arith.muli %scan3A_8, %mul3A_9 : i32
      %dma_start3A = tpu.memref_slice %arg5[%mul3A_10] : memref<4096xi32, #tpu.memory_space<vmem>> -> memref<128xi32, #tpu.memory_space<vmem>>
      %dma_start3A_11 = arith.constant 0 : i32
      %dma_start3A_12 = arith.constant 0 : i32
      %dma_start3A_13 = tpu.memref_slice %arg2[%dma_start3A_11, %dma_start3A_12] : memref<16384x128xf32, #tpu.memory_space<hbm>> -> memref<16384x128xf32, #tpu.memory_space<hbm>>
      tpu.enqueue_indirect_dma source(%dma_start3A_13 : memref<16384x128xf32, #tpu.memory_space<hbm>>) target(%arg6 : memref<128x128xf32, #tpu.memory_space<vmem>>) offsets(%dma_start3A : memref<128xi32, #tpu.memory_space<vmem>>) semaphore(%arg8 : memref<!tpu.dma_semaphore, #tpu.memory_space<semaphore_mem>>)
      %add3A_14 = arith.constant 128 : i32
      %add3A_15 = arith.addi %mul3A_10, %add3A_14 : i32
      %dma_start3A_16 = tpu.memref_slice %arg5[%add3A_15] : memref<4096xi32, #tpu.memory_space<vmem>> -> memref<128xi32, #tpu.memory_space<vmem>>
      %dma_start3A_17 = arith.constant 0 : i32
      %dma_start3A_18 = arith.constant 0 : i32
      %dma_start3A_19 = tpu.memref_slice %arg2[%dma_start3A_17, %dma_start3A_18] : memref<16384x128xf32, #tpu.memory_space<hbm>> -> memref<16384x128xf32, #tpu.memory_space<hbm>>
      tpu.enqueue_indirect_dma source(%dma_start3A_19 : memref<16384x128xf32, #tpu.memory_space<hbm>>) target(%arg7 : memref<128x128xf32, #tpu.memory_space<vmem>>) offsets(%dma_start3A_16 : memref<128xi32, #tpu.memory_space<vmem>>) semaphore(%arg9 : memref<!tpu.dma_semaphore, #tpu.memory_space<semaphore_mem>>)
      %dma_wait3A = tpu.memref_slice %arg5[%mul3A_10] : memref<4096xi32, #tpu.memory_space<vmem>> -> memref<128xi32, #tpu.memory_space<vmem>>
      %dma_wait3A_20 = arith.constant 0 : i32
      %dma_wait3A_21 = arith.constant 0 : i32
      %dma_wait3A_22 = tpu.memref_slice %arg2[%dma_wait3A_20, %dma_wait3A_21] : memref<16384x128xf32, #tpu.memory_space<hbm>> -> memref<16384x128xf32, #tpu.memory_space<hbm>>
      tpu.wait_indirect_dma semaphore(%arg8 : memref<!tpu.dma_semaphore, #tpu.memory_space<semaphore_mem>>) src(%dma_wait3A_22 : memref<16384x128xf32, #tpu.memory_space<hbm>>) dst(%arg6 : memref<128x128xf32, #tpu.memory_space<vmem>>)
      %add3A_23 = arith.addi %mul3A_2, %mul3A_10 : i32
      %dma_start3A_24 = arith.constant 0 : i32
      %dma_start3A_25 = tpu.memref_slice %arg4[%add3A_23, %dma_start3A_24] : memref<131072x128xf32, #tpu.memory_space<hbm>> -> memref<128x128xf32, #tpu.memory_space<hbm>>
      %dma_start3A_26 = arith.constant 0 : i32
      %dma_start3A_27 = tpu.memref_slice %arg4[%add3A_23, %dma_start3A_26] : memref<131072x128xf32, #tpu.memory_space<hbm>> -> memref<128x128xf32, #tpu.memory_space<hbm>>
      tpu.enqueue_dma source(%arg6 : memref<128x128xf32, #tpu.memory_space<vmem>>) target(%dma_start3A_27 : memref<128x128xf32, #tpu.memory_space<hbm>>) target_semaphore(%arg10 : memref<!tpu.dma_semaphore, #tpu.memory_space<semaphore_mem>>)
      %dma_wait3A_28 = tpu.memref_slice %arg5[%add3A_15] : memref<4096xi32, #tpu.memory_space<vmem>> -> memref<128xi32, #tpu.memory_space<vmem>>
      %dma_wait3A_29 = arith.constant 0 : i32
      %dma_wait3A_30 = arith.constant 0 : i32
      %dma_wait3A_31 = tpu.memref_slice %arg2[%dma_wait3A_29, %dma_wait3A_30] : memref<16384x128xf32, #tpu.memory_space<hbm>> -> memref<16384x128xf32, #tpu.memory_space<hbm>>
      tpu.wait_indirect_dma semaphore(%arg9 : memref<!tpu.dma_semaphore, #tpu.memory_space<semaphore_mem>>) src(%dma_wait3A_31 : memref<16384x128xf32, #tpu.memory_space<hbm>>) dst(%arg7 : memref<128x128xf32, #tpu.memory_space<vmem>>)
      %add3A_32 = arith.addi %mul3A_2, %mul3A_10 : i32
      %add3A_33 = arith.constant 128 : i32
      %add3A_34 = arith.addi %add3A_32, %add3A_33 : i32
      %dma_start3A_35 = arith.constant 0 : i32
      %dma_start3A_36 = tpu.memref_slice %arg4[%add3A_34, %dma_start3A_35] : memref<131072x128xf32, #tpu.memory_space<hbm>> -> memref<128x128xf32, #tpu.memory_space<hbm>>
      %dma_start3A_37 = arith.constant 0 : i32
      %dma_start3A_38 = tpu.memref_slice %arg4[%add3A_34, %dma_start3A_37] : memref<131072x128xf32, #tpu.memory_space<hbm>> -> memref<128x128xf32, #tpu.memory_space<hbm>>
      tpu.enqueue_dma source(%arg7 : memref<128x128xf32, #tpu.memory_space<vmem>>) target(%dma_start3A_38 : memref<128x128xf32, #tpu.memory_space<hbm>>) target_semaphore(%arg11 : memref<!tpu.dma_semaphore, #tpu.memory_space<semaphore_mem>>)
      %dma_wait3A_39 = arith.constant 0 : i32
      %dma_wait3A_40 = tpu.memref_slice %arg4[%add3A_23, %dma_wait3A_39] : memref<131072x128xf32, #tpu.memory_space<hbm>> -> memref<128x128xf32, #tpu.memory_space<hbm>>
      %dma_wait3A_41 = arith.constant 0 : i32
      %dma_wait3A_42 = tpu.memref_slice %arg4[%add3A_23, %dma_wait3A_41] : memref<131072x128xf32, #tpu.memory_space<hbm>> -> memref<128x128xf32, #tpu.memory_space<hbm>>
      tpu.wait_dma2 semaphore(%arg10 : memref<!tpu.dma_semaphore, #tpu.memory_space<semaphore_mem>>) src(%arg6 : memref<128x128xf32, #tpu.memory_space<vmem>>) dst(%dma_wait3A_42 : memref<128x128xf32, #tpu.memory_space<hbm>>)
      %dma_wait3A_43 = arith.constant 0 : i32
      %dma_wait3A_44 = tpu.memref_slice %arg4[%add3A_34, %dma_wait3A_43] : memref<131072x128xf32, #tpu.memory_space<hbm>> -> memref<128x128xf32, #tpu.memory_space<hbm>>
      %dma_wait3A_45 = arith.constant 0 : i32
      %dma_wait3A_46 = tpu.memref_slice %arg4[%add3A_34, %dma_wait3A_45] : memref<131072x128xf32, #tpu.memory_space<hbm>> -> memref<128x128xf32, #tpu.memory_space<hbm>>
      tpu.wait_dma2 semaphore(%arg11 : memref<!tpu.dma_semaphore, #tpu.memory_space<semaphore_mem>>) src(%arg7 : memref<128x128xf32, #tpu.memory_space<vmem>>) dst(%dma_wait3A_46 : memref<128x128xf32, #tpu.memory_space<hbm>>)
    }
    %scan3A_7 = arith.constant 16 : i32
    return
  }
}

#map = affine_map<(d0, d1) -> (0, 0)>
#map1 = affine_map<(d0, d1) -> (0)>
module attributes {stable_mosaic.version = 14 : i64} {
  func.func @gk(%arg0: i32, %arg1: i32, %arg2: memref<16384x128xf32, #tpu.memory_space<hbm>>, %arg3: memref<131072xi32, #tpu.memory_space<hbm>>, %arg4: memref<131072x128xf32, #tpu.memory_space<hbm>>, %arg5: memref<4096xi32, #tpu.memory_space<vmem>>, %arg6: memref<128x128xf32, #tpu.memory_space<vmem>>, %arg7: memref<128x128xf32, #tpu.memory_space<vmem>>, %arg8: memref<!tpu.dma_semaphore, #tpu.memory_space<semaphore_mem>>, %arg9: memref<!tpu.dma_semaphore, #tpu.memory_space<semaphore_mem>>, %arg10: memref<!tpu.dma_semaphore, #tpu.memory_space<semaphore_mem>>, %arg11: memref<!tpu.dma_semaphore, #tpu.memory_space<semaphore_mem>>) attributes {dimension_semantics = [#tpu.dimension_semantics<core_parallel>, #tpu.dimension_semantics<subcore_parallel>], iteration_bounds = array<i64: 2, 16>, scalar_prefetch = 0 : i64, scratch_operands = 7 : i64, tpu.core_type = #tpu.core_type<sc_vector_subcore>, window_params = [{transform_indices = #map}, {transform_indices = #map1}, {transform_indices = #map}]} {
    %mul3A = arith.constant 2 : i32
    %mul3A_0 = arith.muli %arg1, %mul3A : i32
    %add3A = arith.addi %mul3A_0, %arg0 : i32
    %mul3A_1 = arith.constant 4096 : i32
    %mul3A_2 = arith.muli %add3A, %mul3A_1 : i32
    "tpu.region"() ({
      %run_scoped3A = tpu.sem_alloc : memref<!tpu.dma_semaphore, #tpu.memory_space<semaphore_mem>>
      %dma_start3A = tpu.memref_slice %arg3[%mul3A_2] : memref<131072xi32, #tpu.memory_space<hbm>> -> memref<4096xi32, #tpu.memory_space<hbm>>
      %dma_start3A_8 = tpu.memref_slice %arg3[%mul3A_2] : memref<131072xi32, #tpu.memory_space<hbm>> -> memref<4096xi32, #tpu.memory_space<hbm>>
      tpu.enqueue_dma source(%dma_start3A_8 : memref<4096xi32, #tpu.memory_space<hbm>>) target(%arg5 : memref<4096xi32, #tpu.memory_space<vmem>>) target_semaphore(%run_scoped3A : memref<!tpu.dma_semaphore, #tpu.memory_space<semaphore_mem>>)
      %dma_wait3A = tpu.memref_slice %arg3[%mul3A_2] : memref<131072xi32, #tpu.memory_space<hbm>> -> memref<4096xi32, #tpu.memory_space<hbm>>
      %dma_wait3A_9 = tpu.memref_slice %arg3[%mul3A_2] : memref<131072xi32, #tpu.memory_space<hbm>> -> memref<4096xi32, #tpu.memory_space<hbm>>
      tpu.wait_dma2 semaphore(%run_scoped3A : memref<!tpu.dma_semaphore, #tpu.memory_space<semaphore_mem>>) src(%dma_wait3A_9 : memref<4096xi32, #tpu.memory_space<hbm>>) dst(%arg5 : memref<4096xi32, #tpu.memory_space<vmem>>)
      tpu.yield
    }) : () -> ()
    %scan3A = arith.constant 0 : i32
    %scan3A_3 = arith.constant 0 : i32
    %scan3A_4 = arith.constant 16 : i32
    %scan3A_5 = arith.addi %scan3A_3, %scan3A_4 : i32
    %scan3A_6 = arith.constant 1 : i32
    scf.for %scan3A_8 = %scan3A_3 to %scan3A_5 step %scan3A_6  : i32 {
      %mul3A_9 = arith.constant 256 : i32
      %mul3A_10 = arith.muli %scan3A_8, %mul3A_9 : i32
      %dma_start3A = tpu.memref_slice %arg5[%mul3A_10] : memref<4096xi32, #tpu.memory_space<vmem>> -> memref<128xi32, #tpu.memory_space<vmem>>
      %dma_start3A_11 = arith.constant 0 : i32
      %dma_start3A_12 = arith.constant 0 : i32
      %dma_start3A_13 = tpu.memref_slice %arg2[%dma_start3A_11, %dma_start3A_12] : memref<16384x128xf32, #tpu.memory_space<hbm>> -> memref<16384x128xf32, #tpu.memory_space<hbm>>
      tpu.enqueue_indirect_dma source(%dma_start3A_13 : memref<16384x128xf32, #tpu.memory_space<hbm>>) target(%arg6 : memref<128x128xf32, #tpu.memory_space<vmem>>) offsets(%dma_start3A : memref<128xi32, #tpu.memory_space<vmem>>) semaphore(%arg8 : memref<!tpu.dma_semaphore, #tpu.memory_space<semaphore_mem>>)
      %add3A_14 = arith.constant 128 : i32
      %add3A_15 = arith.addi %mul3A_10, %add3A_14 : i32
      %dma_start3A_16 = tpu.memref_slice %arg5[%add3A_15] : memref<4096xi32, #tpu.memory_space<vmem>> -> memref<128xi32, #tpu.memory_space<vmem>>
      %dma_start3A_17 = arith.constant 0 : i32
      %dma_start3A_18 = arith.constant 0 : i32
      %dma_start3A_19 = tpu.memref_slice %arg2[%dma_start3A_17, %dma_start3A_18] : memref<16384x128xf32, #tpu.memory_space<hbm>> -> memref<16384x128xf32, #tpu.memory_space<hbm>>
      tpu.enqueue_indirect_dma source(%dma_start3A_19 : memref<16384x128xf32, #tpu.memory_space<hbm>>) target(%arg7 : memref<128x128xf32, #tpu.memory_space<vmem>>) offsets(%dma_start3A_16 : memref<128xi32, #tpu.memory_space<vmem>>) semaphore(%arg9 : memref<!tpu.dma_semaphore, #tpu.memory_space<semaphore_mem>>)
      %dma_wait3A = tpu.memref_slice %arg5[%mul3A_10] : memref<4096xi32, #tpu.memory_space<vmem>> -> memref<128xi32, #tpu.memory_space<vmem>>
      %dma_wait3A_20 = arith.constant 0 : i32
      %dma_wait3A_21 = arith.constant 0 : i32
      %dma_wait3A_22 = tpu.memref_slice %arg2[%dma_wait3A_20, %dma_wait3A_21] : memref<16384x128xf32, #tpu.memory_space<hbm>> -> memref<16384x128xf32, #tpu.memory_space<hbm>>
      tpu.wait_indirect_dma semaphore(%arg8 : memref<!tpu.dma_semaphore, #tpu.memory_space<semaphore_mem>>) src(%dma_wait3A_22 : memref<16384x128xf32, #tpu.memory_space<hbm>>) dst(%arg6 : memref<128x128xf32, #tpu.memory_space<vmem>>)
      %add3A_23 = arith.addi %mul3A_2, %mul3A_10 : i32
      %dma_start3A_24 = arith.constant 0 : i32
      %dma_start3A_25 = tpu.memref_slice %arg4[%add3A_23, %dma_start3A_24] : memref<131072x128xf32, #tpu.memory_space<hbm>> -> memref<128x128xf32, #tpu.memory_space<hbm>>
      %dma_start3A_26 = arith.constant 0 : i32
      %dma_start3A_27 = tpu.memref_slice %arg4[%add3A_23, %dma_start3A_26] : memref<131072x128xf32, #tpu.memory_space<hbm>> -> memref<128x128xf32, #tpu.memory_space<hbm>>
      tpu.enqueue_dma source(%arg6 : memref<128x128xf32, #tpu.memory_space<vmem>>) target(%dma_start3A_27 : memref<128x128xf32, #tpu.memory_space<hbm>>) target_semaphore(%arg10 : memref<!tpu.dma_semaphore, #tpu.memory_space<semaphore_mem>>)
      %dma_wait3A_28 = tpu.memref_slice %arg5[%add3A_15] : memref<4096xi32, #tpu.memory_space<vmem>> -> memref<128xi32, #tpu.memory_space<vmem>>
      %dma_wait3A_29 = arith.constant 0 : i32
      %dma_wait3A_30 = arith.constant 0 : i32
      %dma_wait3A_31 = tpu.memref_slice %arg2[%dma_wait3A_29, %dma_wait3A_30] : memref<16384x128xf32, #tpu.memory_space<hbm>> -> memref<16384x128xf32, #tpu.memory_space<hbm>>
      tpu.wait_indirect_dma semaphore(%arg9 : memref<!tpu.dma_semaphore, #tpu.memory_space<semaphore_mem>>) src(%dma_wait3A_31 : memref<16384x128xf32, #tpu.memory_space<hbm>>) dst(%arg7 : memref<128x128xf32, #tpu.memory_space<vmem>>)
      %add3A_32 = arith.addi %mul3A_2, %mul3A_10 : i32
      %add3A_33 = arith.constant 128 : i32
      %add3A_34 = arith.addi %add3A_32, %add3A_33 : i32
      %dma_start3A_35 = arith.constant 0 : i32
      %dma_start3A_36 = tpu.memref_slice %arg4[%add3A_34, %dma_start3A_35] : memref<131072x128xf32, #tpu.memory_space<hbm>> -> memref<128x128xf32, #tpu.memory_space<hbm>>
      %dma_start3A_37 = arith.constant 0 : i32
      %dma_start3A_38 = tpu.memref_slice %arg4[%add3A_34, %dma_start3A_37] : memref<131072x128xf32, #tpu.memory_space<hbm>> -> memref<128x128xf32, #tpu.memory_space<hbm>>
      tpu.enqueue_dma source(%arg7 : memref<128x128xf32, #tpu.memory_space<vmem>>) target(%dma_start3A_38 : memref<128x128xf32, #tpu.memory_space<hbm>>) target_semaphore(%arg11 : memref<!tpu.dma_semaphore, #tpu.memory_space<semaphore_mem>>)
      %dma_wait3A_39 = arith.constant 0 : i32
      %dma_wait3A_40 = tpu.memref_slice %arg4[%add3A_23, %dma_wait3A_39] : memref<131072x128xf32, #tpu.memory_space<hbm>> -> memref<128x128xf32, #tpu.memory_space<hbm>>
      %dma_wait3A_41 = arith.constant 0 : i32
      %dma_wait3A_42 = tpu.memref_slice %arg4[%add3A_23, %dma_wait3A_41] : memref<131072x128xf32, #tpu.memory_space<hbm>> -> memref<128x128xf32, #tpu.memory_space<hbm>>
      tpu.wait_dma2 semaphore(%arg10 : memref<!tpu.dma_semaphore, #tpu.memory_space<semaphore_mem>>) src(%arg6 : memref<128x128xf32, #tpu.memory_space<vmem>>) dst(%dma_wait3A_42 : memref<128x128xf32, #tpu.memory_space<hbm>>)
      %dma_wait3A_43 = arith.constant 0 : i32
      %dma_wait3A_44 = tpu.memref_slice %arg4[%add3A_34, %dma_wait3A_43] : memref<131072x128xf32, #tpu.memory_space<hbm>> -> memref<128x128xf32, #tpu.memory_space<hbm>>
      %dma_wait3A_45 = arith.constant 0 : i32
      %dma_wait3A_46 = tpu.memref_slice %arg4[%add3A_34, %dma_wait3A_45] : memref<131072x128xf32, #tpu.memory_space<hbm>> -> memref<128x128xf32, #tpu.memory_space<hbm>>
      tpu.wait_dma2 semaphore(%arg11 : memref<!tpu.dma_semaphore, #tpu.memory_space<semaphore_mem>>) src(%arg7 : memref<128x128xf32, #tpu.memory_space<vmem>>) dst(%dma_wait3A_46 : memref<128x128xf32, #tpu.memory_space<hbm>>)
    }
    %scan3A_7 = arith.constant 16 : i32
    return
  }
}

#map = affine_map<(d0, d1) -> (0, 0)>
#map1 = affine_map<(d0, d1) -> (0)>
module attributes {stable_mosaic.version = 14 : i64} {
  func.func @gk(%arg0: i32, %arg1: i32, %arg2: memref<8192x128xf32, #tpu.memory_space<hbm>>, %arg3: memref<131072xi32, #tpu.memory_space<hbm>>, %arg4: memref<131072x128xf32, #tpu.memory_space<hbm>>, %arg5: memref<4096xi32, #tpu.memory_space<vmem>>, %arg6: memref<128x128xf32, #tpu.memory_space<vmem>>, %arg7: memref<128x128xf32, #tpu.memory_space<vmem>>, %arg8: memref<!tpu.dma_semaphore, #tpu.memory_space<semaphore_mem>>, %arg9: memref<!tpu.dma_semaphore, #tpu.memory_space<semaphore_mem>>, %arg10: memref<!tpu.dma_semaphore, #tpu.memory_space<semaphore_mem>>, %arg11: memref<!tpu.dma_semaphore, #tpu.memory_space<semaphore_mem>>) attributes {dimension_semantics = [#tpu.dimension_semantics<core_parallel>, #tpu.dimension_semantics<subcore_parallel>], iteration_bounds = array<i64: 2, 16>, scalar_prefetch = 0 : i64, scratch_operands = 7 : i64, tpu.core_type = #tpu.core_type<sc_vector_subcore>, window_params = [{transform_indices = #map}, {transform_indices = #map1}, {transform_indices = #map}]} {
    %mul3A = arith.constant 2 : i32
    %mul3A_0 = arith.muli %arg1, %mul3A : i32
    %add3A = arith.addi %mul3A_0, %arg0 : i32
    %mul3A_1 = arith.constant 4096 : i32
    %mul3A_2 = arith.muli %add3A, %mul3A_1 : i32
    "tpu.region"() ({
      %run_scoped3A = tpu.sem_alloc : memref<!tpu.dma_semaphore, #tpu.memory_space<semaphore_mem>>
      %dma_start3A = tpu.memref_slice %arg3[%mul3A_2] : memref<131072xi32, #tpu.memory_space<hbm>> -> memref<4096xi32, #tpu.memory_space<hbm>>
      %dma_start3A_8 = tpu.memref_slice %arg3[%mul3A_2] : memref<131072xi32, #tpu.memory_space<hbm>> -> memref<4096xi32, #tpu.memory_space<hbm>>
      tpu.enqueue_dma source(%dma_start3A_8 : memref<4096xi32, #tpu.memory_space<hbm>>) target(%arg5 : memref<4096xi32, #tpu.memory_space<vmem>>) target_semaphore(%run_scoped3A : memref<!tpu.dma_semaphore, #tpu.memory_space<semaphore_mem>>)
      %dma_wait3A = tpu.memref_slice %arg3[%mul3A_2] : memref<131072xi32, #tpu.memory_space<hbm>> -> memref<4096xi32, #tpu.memory_space<hbm>>
      %dma_wait3A_9 = tpu.memref_slice %arg3[%mul3A_2] : memref<131072xi32, #tpu.memory_space<hbm>> -> memref<4096xi32, #tpu.memory_space<hbm>>
      tpu.wait_dma2 semaphore(%run_scoped3A : memref<!tpu.dma_semaphore, #tpu.memory_space<semaphore_mem>>) src(%dma_wait3A_9 : memref<4096xi32, #tpu.memory_space<hbm>>) dst(%arg5 : memref<4096xi32, #tpu.memory_space<vmem>>)
      tpu.yield
    }) : () -> ()
    %scan3A = arith.constant 0 : i32
    %scan3A_3 = arith.constant 0 : i32
    %scan3A_4 = arith.constant 16 : i32
    %scan3A_5 = arith.addi %scan3A_3, %scan3A_4 : i32
    %scan3A_6 = arith.constant 1 : i32
    scf.for %scan3A_8 = %scan3A_3 to %scan3A_5 step %scan3A_6  : i32 {
      %mul3A_9 = arith.constant 256 : i32
      %mul3A_10 = arith.muli %scan3A_8, %mul3A_9 : i32
      %dma_start3A = tpu.memref_slice %arg5[%mul3A_10] : memref<4096xi32, #tpu.memory_space<vmem>> -> memref<128xi32, #tpu.memory_space<vmem>>
      %dma_start3A_11 = arith.constant 0 : i32
      %dma_start3A_12 = arith.constant 0 : i32
      %dma_start3A_13 = tpu.memref_slice %arg2[%dma_start3A_11, %dma_start3A_12] : memref<8192x128xf32, #tpu.memory_space<hbm>> -> memref<8192x128xf32, #tpu.memory_space<hbm>>
      tpu.enqueue_indirect_dma source(%dma_start3A_13 : memref<8192x128xf32, #tpu.memory_space<hbm>>) target(%arg6 : memref<128x128xf32, #tpu.memory_space<vmem>>) offsets(%dma_start3A : memref<128xi32, #tpu.memory_space<vmem>>) semaphore(%arg8 : memref<!tpu.dma_semaphore, #tpu.memory_space<semaphore_mem>>)
      %add3A_14 = arith.constant 128 : i32
      %add3A_15 = arith.addi %mul3A_10, %add3A_14 : i32
      %dma_start3A_16 = tpu.memref_slice %arg5[%add3A_15] : memref<4096xi32, #tpu.memory_space<vmem>> -> memref<128xi32, #tpu.memory_space<vmem>>
      %dma_start3A_17 = arith.constant 0 : i32
      %dma_start3A_18 = arith.constant 0 : i32
      %dma_start3A_19 = tpu.memref_slice %arg2[%dma_start3A_17, %dma_start3A_18] : memref<8192x128xf32, #tpu.memory_space<hbm>> -> memref<8192x128xf32, #tpu.memory_space<hbm>>
      tpu.enqueue_indirect_dma source(%dma_start3A_19 : memref<8192x128xf32, #tpu.memory_space<hbm>>) target(%arg7 : memref<128x128xf32, #tpu.memory_space<vmem>>) offsets(%dma_start3A_16 : memref<128xi32, #tpu.memory_space<vmem>>) semaphore(%arg9 : memref<!tpu.dma_semaphore, #tpu.memory_space<semaphore_mem>>)
      %dma_wait3A = tpu.memref_slice %arg5[%mul3A_10] : memref<4096xi32, #tpu.memory_space<vmem>> -> memref<128xi32, #tpu.memory_space<vmem>>
      %dma_wait3A_20 = arith.constant 0 : i32
      %dma_wait3A_21 = arith.constant 0 : i32
      %dma_wait3A_22 = tpu.memref_slice %arg2[%dma_wait3A_20, %dma_wait3A_21] : memref<8192x128xf32, #tpu.memory_space<hbm>> -> memref<8192x128xf32, #tpu.memory_space<hbm>>
      tpu.wait_indirect_dma semaphore(%arg8 : memref<!tpu.dma_semaphore, #tpu.memory_space<semaphore_mem>>) src(%dma_wait3A_22 : memref<8192x128xf32, #tpu.memory_space<hbm>>) dst(%arg6 : memref<128x128xf32, #tpu.memory_space<vmem>>)
      %add3A_23 = arith.addi %mul3A_2, %mul3A_10 : i32
      %dma_start3A_24 = arith.constant 0 : i32
      %dma_start3A_25 = tpu.memref_slice %arg4[%add3A_23, %dma_start3A_24] : memref<131072x128xf32, #tpu.memory_space<hbm>> -> memref<128x128xf32, #tpu.memory_space<hbm>>
      %dma_start3A_26 = arith.constant 0 : i32
      %dma_start3A_27 = tpu.memref_slice %arg4[%add3A_23, %dma_start3A_26] : memref<131072x128xf32, #tpu.memory_space<hbm>> -> memref<128x128xf32, #tpu.memory_space<hbm>>
      tpu.enqueue_dma source(%arg6 : memref<128x128xf32, #tpu.memory_space<vmem>>) target(%dma_start3A_27 : memref<128x128xf32, #tpu.memory_space<hbm>>) target_semaphore(%arg10 : memref<!tpu.dma_semaphore, #tpu.memory_space<semaphore_mem>>)
      %dma_wait3A_28 = tpu.memref_slice %arg5[%add3A_15] : memref<4096xi32, #tpu.memory_space<vmem>> -> memref<128xi32, #tpu.memory_space<vmem>>
      %dma_wait3A_29 = arith.constant 0 : i32
      %dma_wait3A_30 = arith.constant 0 : i32
      %dma_wait3A_31 = tpu.memref_slice %arg2[%dma_wait3A_29, %dma_wait3A_30] : memref<8192x128xf32, #tpu.memory_space<hbm>> -> memref<8192x128xf32, #tpu.memory_space<hbm>>
      tpu.wait_indirect_dma semaphore(%arg9 : memref<!tpu.dma_semaphore, #tpu.memory_space<semaphore_mem>>) src(%dma_wait3A_31 : memref<8192x128xf32, #tpu.memory_space<hbm>>) dst(%arg7 : memref<128x128xf32, #tpu.memory_space<vmem>>)
      %add3A_32 = arith.addi %mul3A_2, %mul3A_10 : i32
      %add3A_33 = arith.constant 128 : i32
      %add3A_34 = arith.addi %add3A_32, %add3A_33 : i32
      %dma_start3A_35 = arith.constant 0 : i32
      %dma_start3A_36 = tpu.memref_slice %arg4[%add3A_34, %dma_start3A_35] : memref<131072x128xf32, #tpu.memory_space<hbm>> -> memref<128x128xf32, #tpu.memory_space<hbm>>
      %dma_start3A_37 = arith.constant 0 : i32
      %dma_start3A_38 = tpu.memref_slice %arg4[%add3A_34, %dma_start3A_37] : memref<131072x128xf32, #tpu.memory_space<hbm>> -> memref<128x128xf32, #tpu.memory_space<hbm>>
      tpu.enqueue_dma source(%arg7 : memref<128x128xf32, #tpu.memory_space<vmem>>) target(%dma_start3A_38 : memref<128x128xf32, #tpu.memory_space<hbm>>) target_semaphore(%arg11 : memref<!tpu.dma_semaphore, #tpu.memory_space<semaphore_mem>>)
      %dma_wait3A_39 = arith.constant 0 : i32
      %dma_wait3A_40 = tpu.memref_slice %arg4[%add3A_23, %dma_wait3A_39] : memref<131072x128xf32, #tpu.memory_space<hbm>> -> memref<128x128xf32, #tpu.memory_space<hbm>>
      %dma_wait3A_41 = arith.constant 0 : i32
      %dma_wait3A_42 = tpu.memref_slice %arg4[%add3A_23, %dma_wait3A_41] : memref<131072x128xf32, #tpu.memory_space<hbm>> -> memref<128x128xf32, #tpu.memory_space<hbm>>
      tpu.wait_dma2 semaphore(%arg10 : memref<!tpu.dma_semaphore, #tpu.memory_space<semaphore_mem>>) src(%arg6 : memref<128x128xf32, #tpu.memory_space<vmem>>) dst(%dma_wait3A_42 : memref<128x128xf32, #tpu.memory_space<hbm>>)
      %dma_wait3A_43 = arith.constant 0 : i32
      %dma_wait3A_44 = tpu.memref_slice %arg4[%add3A_34, %dma_wait3A_43] : memref<131072x128xf32, #tpu.memory_space<hbm>> -> memref<128x128xf32, #tpu.memory_space<hbm>>
      %dma_wait3A_45 = arith.constant 0 : i32
      %dma_wait3A_46 = tpu.memref_slice %arg4[%add3A_34, %dma_wait3A_45] : memref<131072x128xf32, #tpu.memory_space<hbm>> -> memref<128x128xf32, #tpu.memory_space<hbm>>
      tpu.wait_dma2 semaphore(%arg11 : memref<!tpu.dma_semaphore, #tpu.memory_space<semaphore_mem>>) src(%arg7 : memref<128x128xf32, #tpu.memory_space<vmem>>) dst(%dma_wait3A_46 : memref<128x128xf32, #tpu.memory_space<hbm>>)
    }
    %scan3A_7 = arith.constant 16 : i32
    return
  }
}

module attributes {stable_mosaic.version = 14 : i64} {
  func.func @_knn_body(%arg0: i32, %arg1: i32, %arg2: memref<1x512x3xf32, #tpu.memory_space<vmem>>, %arg3: memref<1x3x4096xf32, #tpu.memory_space<vmem>>, %arg4: memref<1x512x16xi32, #tpu.memory_space<vmem>>) attributes {dimension_semantics = [#tpu.dimension_semantics<arbitrary>, #tpu.dimension_semantics<arbitrary>], iteration_bounds = array<i64: 2, 8>, scalar_prefetch = 0 : i64, scratch_operands = 0 : i64, tpu.core_type = #tpu.core_type<tc>, window_params = [{transform_indices = @transform_0, window_bounds = array<i64: 1, 512, 3>}, {transform_indices = @transform_1, window_bounds = array<i64: 1, 3, 4096>}, {transform_indices = @transform_2, window_bounds = array<i64: 1, 512, 16>}]} {
    %get3A = arith.constant 0 : index
    %get3A_0 = arith.constant 0 : index
    %get3A_1 = arith.constant 0 : index
    %get3A_2 = vector.load %arg2[%get3A, %get3A_0, %get3A_1] : memref<1x512x3xf32, #tpu.memory_space<vmem>>, vector<1x512x3xf32>
    %get3A_3 = vector.shape_cast %get3A_2 : vector<1x512x3xf32> to vector<512x3xf32>
    %get3A_4 = arith.constant 0 : index
    %get3A_5 = arith.constant 0 : index
    %get3A_6 = arith.constant 0 : index
    %get3A_7 = vector.load %arg3[%get3A_4, %get3A_5, %get3A_6] : memref<1x3x4096xf32, #tpu.memory_space<vmem>>, vector<1x3x4096xf32>
    %get3A_8 = vector.shape_cast %get3A_7 : vector<1x3x4096xf32> to vector<3x4096xf32>
    %convert_element_type3A = arith.truncf %get3A_3 : vector<512x3xf32> to vector<512x3xbf16>
    %convert_element_type3A_9 = arith.truncf %get3A_8 : vector<3x4096xf32> to vector<3x4096xbf16>
    %dot_general3A = arith.constant dense<0.000000e+00> : vector<512x4096xf32>
    %dot_general3A_10 = tpu.matmul %convert_element_type3A, %convert_element_type3A_9, %dot_general3A {dimension_numbers = #tpu.dot_dimension_numbers<[1], [0], [0], [1], [0, 0, 1, 1], [], []>, transpose_lhs_hint = false} : vector<512x3xbf16>, vector<3x4096xbf16>, vector<512x4096xf32> -> vector<512x4096xf32>
    %slice3A = vector.extract_strided_slice %get3A_3 {offsets = [0, 0], sizes = [512, 1], strides = [1, 1]} : vector<512x3xf32> to vector<512x1xf32>
    %slice3A_11 = vector.extract_strided_slice %get3A_3 {offsets = [0, 0], sizes = [512, 1], strides = [1, 1]} : vector<512x3xf32> to vector<512x1xf32>
    %mul3A = arith.mulf %slice3A, %slice3A_11 : vector<512x1xf32>
    %slice3A_12 = vector.extract_strided_slice %get3A_3 {offsets = [0, 1], sizes = [512, 1], strides = [1, 1]} : vector<512x3xf32> to vector<512x1xf32>
    %slice3A_13 = vector.extract_strided_slice %get3A_3 {offsets = [0, 1], sizes = [512, 1], strides = [1, 1]} : vector<512x3xf32> to vector<512x1xf32>
    %mul3A_14 = arith.mulf %slice3A_12, %slice3A_13 : vector<512x1xf32>
    %add3A = arith.addf %mul3A, %mul3A_14 : vector<512x1xf32>
    %slice3A_15 = vector.extract_strided_slice %get3A_3 {offsets = [0, 2], sizes = [512, 1], strides = [1, 1]} : vector<512x3xf32> to vector<512x1xf32>
    %slice3A_16 = vector.extract_strided_slice %get3A_3 {offsets = [0, 2], sizes = [512, 1], strides = [1, 1]} : vector<512x3xf32> to vector<512x1xf32>
    %mul3A_17 = arith.mulf %slice3A_15, %slice3A_16 : vector<512x1xf32>
    %add3A_18 = arith.addf %add3A, %mul3A_17 : vector<512x1xf32>
    %slice3A_19 = vector.extract_strided_slice %get3A_8 {offsets = [0, 0], sizes = [1, 4096], strides = [1, 1]} : vector<3x4096xf32> to vector<1x4096xf32>
    %slice3A_20 = vector.extract_strided_slice %get3A_8 {offsets = [0, 0], sizes = [1, 4096], strides = [1, 1]} : vector<3x4096xf32> to vector<1x4096xf32>
    %mul3A_21 = arith.mulf %slice3A_19, %slice3A_20 : vector<1x4096xf32>
    %slice3A_22 = vector.extract_strided_slice %get3A_8 {offsets = [1, 0], sizes = [1, 4096], strides = [1, 1]} : vector<3x4096xf32> to vector<1x4096xf32>
    %slice3A_23 = vector.extract_strided_slice %get3A_8 {offsets = [1, 0], sizes = [1, 4096], strides = [1, 1]} : vector<3x4096xf32> to vector<1x4096xf32>
    %mul3A_24 = arith.mulf %slice3A_22, %slice3A_23 : vector<1x4096xf32>
    %add3A_25 = arith.addf %mul3A_21, %mul3A_24 : vector<1x4096xf32>
    %slice3A_26 = vector.extract_strided_slice %get3A_8 {offsets = [2, 0], sizes = [1, 4096], strides = [1, 1]} : vector<3x4096xf32> to vector<1x4096xf32>
    %slice3A_27 = vector.extract_strided_slice %get3A_8 {offsets = [2, 0], sizes = [1, 4096], strides = [1, 1]} : vector<3x4096xf32> to vector<1x4096xf32>
    %mul3A_28 = arith.mulf %slice3A_26, %slice3A_27 : vector<1x4096xf32>
    %add3A_29 = arith.addf %add3A_25, %mul3A_28 : vector<1x4096xf32>
    %mul3A_30 = arith.constant -2.000000e+00 : f32
    %mul3A_31 = vector.broadcast %mul3A_30 : f32 to vector<512x4096xf32>
    %mul3A_32 = arith.mulf %mul3A_31, %dot_general3A_10 : vector<512x4096xf32>
    %add3A_33 = vector.broadcast %add3A_18 : vector<512x1xf32> to vector<512x4096xf32>
    %add3A_34 = arith.addf %mul3A_32, %add3A_33 : vector<512x4096xf32>
    %add3A_35 = vector.broadcast %add3A_29 : vector<1x4096xf32> to vector<512x4096xf32>
    %add3A_36 = arith.addf %add3A_34, %add3A_35 : vector<512x4096xf32>
    %max3A = arith.constant 0.000000e+00 : f32
    %max3A_37 = vector.broadcast %max3A : f32 to vector<512x4096xf32>
    %max3A_38 = arith.maximumf %add3A_36, %max3A_37 : vector<512x4096xf32>
    %bitcast_convert_type3A = tpu.bitcast %max3A_38 : vector<512x4096xf32> -> vector<512x4096xi32>
    %iota3A = tpu.iota {dimensions = array<i32: 1>} : vector<512x4096xi32>
    %and3A = arith.constant -4096 : i32
    %and3A_39 = vector.broadcast %and3A : i32 to vector<512x4096xi32>
    %and3A_40 = arith.andi %bitcast_convert_type3A, %and3A_39 : vector<512x4096xi32>
    %or3A = arith.ori %and3A_40, %iota3A : vector<512x4096xi32>
    %reduce_min3A = arith.constant dense<2147483647> : vector<512xi32>
    %reduce_min3A_41 = vector.multi_reduction <minsi>, %or3A, %reduce_min3A [1] : vector<512x4096xi32> to vector<512xi32>
    %broadcast_in_dim3A = vector.shape_cast %reduce_min3A_41 : vector<512xi32> to vector<512x1xi32>
    %and3A_42 = arith.constant 4095 : i32
    %and3A_43 = vector.broadcast %and3A_42 : i32 to vector<512x1xi32>
    %and3A_44 = arith.andi %broadcast_in_dim3A, %and3A_43 : vector<512x1xi32>
    %eq3A = vector.broadcast %broadcast_in_dim3A : vector<512x1xi32> to vector<512x4096xi32>
    %eq3A_45 = arith.cmpi eq, %or3A, %eq3A : vector<512x4096xi32>
    %jit3A = arith.constant 2147483647 : i32
    %broadcast_in_dim3A_46 = vector.broadcast %jit3A : i32 to vector<512x4096xi32>
    %select_n3A = arith.select %eq3A_45, %broadcast_in_dim3A_46, %or3A : vector<512x4096xi1>, vector<512x4096xi32>
    %reduce_min3A_47 = arith.constant dense<2147483647> : vector<512xi32>
    %reduce_min3A_48 = vector.multi_reduction <minsi>, %select_n3A, %reduce_min3A_47 [1] : vector<512x4096xi32> to vector<512xi32>
    %broadcast_in_dim3A_49 = vector.shape_cast %reduce_min3A_48 : vector<512xi32> to vector<512x1xi32>
    %and3A_50 = arith.constant 4095 : i32
    %and3A_51 = vector.broadcast %and3A_50 : i32 to vector<512x1xi32>
    %and3A_52 = arith.andi %broadcast_in_dim3A_49, %and3A_51 : vector<512x1xi32>
    %eq3A_53 = vector.broadcast %broadcast_in_dim3A_49 : vector<512x1xi32> to vector<512x4096xi32>
    %eq3A_54 = arith.cmpi eq, %select_n3A, %eq3A_53 : vector<512x4096xi32>
    %jit3A_55 = arith.constant 2147483647 : i32
    %broadcast_in_dim3A_56 = vector.broadcast %jit3A_55 : i32 to vector<512x4096xi32>
    %select_n3A_57 = arith.select %eq3A_54, %broadcast_in_dim3A_56, %select_n3A : vector<512x4096xi1>, vector<512x4096xi32>
    %reduce_min3A_58 = arith.constant dense<2147483647> : vector<512xi32>
    %reduce_min3A_59 = vector.multi_reduction <minsi>, %select_n3A_57, %reduce_min3A_58 [1] : vector<512x4096xi32> to vector<512xi32>
    %broadcast_in_dim3A_60 = vector.shape_cast %reduce_min3A_59 : vector<512xi32> to vector<512x1xi32>
    %and3A_61 = arith.constant 4095 : i32
    %and3A_62 = vector.broadcast %and3A_61 : i32 to vector<512x1xi32>
    %and3A_63 = arith.andi %broadcast_in_dim3A_60, %and3A_62 : vector<512x1xi32>
    %eq3A_64 = vector.broadcast %broadcast_in_dim3A_60 : vector<512x1xi32> to vector<512x4096xi32>
    %eq3A_65 = arith.cmpi eq, %select_n3A_57, %eq3A_64 : vector<512x4096xi32>
    %jit3A_66 = arith.constant 2147483647 : i32
    %broadcast_in_dim3A_67 = vector.broadcast %jit3A_66 : i32 to vector<512x4096xi32>
    %select_n3A_68 = arith.select %eq3A_65, %broadcast_in_dim3A_67, %select_n3A_57 : vector<512x4096xi1>, vector<512x4096xi32>
    %reduce_min3A_69 = arith.constant dense<2147483647> : vector<512xi32>
    %reduce_min3A_70 = vector.multi_reduction <minsi>, %select_n3A_68, %reduce_min3A_69 [1] : vector<512x4096xi32> to vector<512xi32>
    %broadcast_in_dim3A_71 = vector.shape_cast %reduce_min3A_70 : vector<512xi32> to vector<512x1xi32>
    %and3A_72 = arith.constant 4095 : i32
    %and3A_73 = vector.broadcast %and3A_72 : i32 to vector<512x1xi32>
    %and3A_74 = arith.andi %broadcast_in_dim3A_71, %and3A_73 : vector<512x1xi32>
    %eq3A_75 = vector.broadcast %broadcast_in_dim3A_71 : vector<512x1xi32> to vector<512x4096xi32>
    %eq3A_76 = arith.cmpi eq, %select_n3A_68, %eq3A_75 : vector<512x4096xi32>
    %jit3A_77 = arith.constant 2147483647 : i32
    %broadcast_in_dim3A_78 = vector.broadcast %jit3A_77 : i32 to vector<512x4096xi32>
    %select_n3A_79 = arith.select %eq3A_76, %broadcast_in_dim3A_78, %select_n3A_68 : vector<512x4096xi1>, vector<512x4096xi32>
    %reduce_min3A_80 = arith.constant dense<2147483647> : vector<512xi32>
    %reduce_min3A_81 = vector.multi_reduction <minsi>, %select_n3A_79, %reduce_min3A_80 [1] : vector<512x4096xi32> to vector<512xi32>
    %broadcast_in_dim3A_82 = vector.shape_cast %reduce_min3A_81 : vector<512xi32> to vector<512x1xi32>
    %and3A_83 = arith.constant 4095 : i32
    %and3A_84 = vector.broadcast %and3A_83 : i32 to vector<512x1xi32>
    %and3A_85 = arith.andi %broadcast_in_dim3A_82, %and3A_84 : vector<512x1xi32>
    %eq3A_86 = vector.broadcast %broadcast_in_dim3A_82 : vector<512x1xi32> to vector<512x4096xi32>
    %eq3A_87 = arith.cmpi eq, %select_n3A_79, %eq3A_86 : vector<512x4096xi32>
    %jit3A_88 = arith.constant 2147483647 : i32
    %broadcast_in_dim3A_89 = vector.broadcast %jit3A_88 : i32 to vector<512x4096xi32>
    %select_n3A_90 = arith.select %eq3A_87, %broadcast_in_dim3A_89, %select_n3A_79 : vector<512x4096xi1>, vector<512x4096xi32>
    %reduce_min3A_91 = arith.constant dense<2147483647> : vector<512xi32>
    %reduce_min3A_92 = vector.multi_reduction <minsi>, %select_n3A_90, %reduce_min3A_91 [1] : vector<512x4096xi32> to vector<512xi32>
    %broadcast_in_dim3A_93 = vector.shape_cast %reduce_min3A_92 : vector<512xi32> to vector<512x1xi32>
    %and3A_94 = arith.constant 4095 : i32
    %and3A_95 = vector.broadcast %and3A_94 : i32 to vector<512x1xi32>
    %and3A_96 = arith.andi %broadcast_in_dim3A_93, %and3A_95 : vector<512x1xi32>
    %eq3A_97 = vector.broadcast %broadcast_in_dim3A_93 : vector<512x1xi32> to vector<512x4096xi32>
    %eq3A_98 = arith.cmpi eq, %select_n3A_90, %eq3A_97 : vector<512x4096xi32>
    %jit3A_99 = arith.constant 2147483647 : i32
    %broadcast_in_dim3A_100 = vector.broadcast %jit3A_99 : i32 to vector<512x4096xi32>
    %select_n3A_101 = arith.select %eq3A_98, %broadcast_in_dim3A_100, %select_n3A_90 : vector<512x4096xi1>, vector<512x4096xi32>
    %reduce_min3A_102 = arith.constant dense<2147483647> : vector<512xi32>
    %reduce_min3A_103 = vector.multi_reduction <minsi>, %select_n3A_101, %reduce_min3A_102 [1] : vector<512x4096xi32> to vector<512xi32>
    %broadcast_in_dim3A_104 = vector.shape_cast %reduce_min3A_103 : vector<512xi32> to vector<512x1xi32>
    %and3A_105 = arith.constant 4095 : i32
    %and3A_106 = vector.broadcast %and3A_105 : i32 to vector<512x1xi32>
    %and3A_107 = arith.andi %broadcast_in_dim3A_104, %and3A_106 : vector<512x1xi32>
    %eq3A_108 = vector.broadcast %broadcast_in_dim3A_104 : vector<512x1xi32> to vector<512x4096xi32>
    %eq3A_109 = arith.cmpi eq, %select_n3A_101, %eq3A_108 : vector<512x4096xi32>
    %jit3A_110 = arith.constant 2147483647 : i32
    %broadcast_in_dim3A_111 = vector.broadcast %jit3A_110 : i32 to vector<512x4096xi32>
    %select_n3A_112 = arith.select %eq3A_109, %broadcast_in_dim3A_111, %select_n3A_101 : vector<512x4096xi1>, vector<512x4096xi32>
    %reduce_min3A_113 = arith.constant dense<2147483647> : vector<512xi32>
    %reduce_min3A_114 = vector.multi_reduction <minsi>, %select_n3A_112, %reduce_min3A_113 [1] : vector<512x4096xi32> to vector<512xi32>
    %broadcast_in_dim3A_115 = vector.shape_cast %reduce_min3A_114 : vector<512xi32> to vector<512x1xi32>
    %and3A_116 = arith.constant 4095 : i32
    %and3A_117 = vector.broadcast %and3A_116 : i32 to vector<512x1xi32>
    %and3A_118 = arith.andi %broadcast_in_dim3A_115, %and3A_117 : vector<512x1xi32>
    %eq3A_119 = vector.broadcast %broadcast_in_dim3A_115 : vector<512x1xi32> to vector<512x4096xi32>
    %eq3A_120 = arith.cmpi eq, %select_n3A_112, %eq3A_119 : vector<512x4096xi32>
    %jit3A_121 = arith.constant 2147483647 : i32
    %broadcast_in_dim3A_122 = vector.broadcast %jit3A_121 : i32 to vector<512x4096xi32>
    %select_n3A_123 = arith.select %eq3A_120, %broadcast_in_dim3A_122, %select_n3A_112 : vector<512x4096xi1>, vector<512x4096xi32>
    %reduce_min3A_124 = arith.constant dense<2147483647> : vector<512xi32>
    %reduce_min3A_125 = vector.multi_reduction <minsi>, %select_n3A_123, %reduce_min3A_124 [1] : vector<512x4096xi32> to vector<512xi32>
    %broadcast_in_dim3A_126 = vector.shape_cast %reduce_min3A_125 : vector<512xi32> to vector<512x1xi32>
    %and3A_127 = arith.constant 4095 : i32
    %and3A_128 = vector.broadcast %and3A_127 : i32 to vector<512x1xi32>
    %and3A_129 = arith.andi %broadcast_in_dim3A_126, %and3A_128 : vector<512x1xi32>
    %eq3A_130 = vector.broadcast %broadcast_in_dim3A_126 : vector<512x1xi32> to vector<512x4096xi32>
    %eq3A_131 = arith.cmpi eq, %select_n3A_123, %eq3A_130 : vector<512x4096xi32>
    %jit3A_132 = arith.constant 2147483647 : i32
    %broadcast_in_dim3A_133 = vector.broadcast %jit3A_132 : i32 to vector<512x4096xi32>
    %select_n3A_134 = arith.select %eq3A_131, %broadcast_in_dim3A_133, %select_n3A_123 : vector<512x4096xi1>, vector<512x4096xi32>
    %reduce_min3A_135 = arith.constant dense<2147483647> : vector<512xi32>
    %reduce_min3A_136 = vector.multi_reduction <minsi>, %select_n3A_134, %reduce_min3A_135 [1] : vector<512x4096xi32> to vector<512xi32>
    %broadcast_in_dim3A_137 = vector.shape_cast %reduce_min3A_136 : vector<512xi32> to vector<512x1xi32>
    %and3A_138 = arith.constant 4095 : i32
    %and3A_139 = vector.broadcast %and3A_138 : i32 to vector<512x1xi32>
    %and3A_140 = arith.andi %broadcast_in_dim3A_137, %and3A_139 : vector<512x1xi32>
    %eq3A_141 = vector.broadcast %broadcast_in_dim3A_137 : vector<512x1xi32> to vector<512x4096xi32>
    %eq3A_142 = arith.cmpi eq, %select_n3A_134, %eq3A_141 : vector<512x4096xi32>
    %jit3A_143 = arith.constant 2147483647 : i32
    %broadcast_in_dim3A_144 = vector.broadcast %jit3A_143 : i32 to vector<512x4096xi32>
    %select_n3A_145 = arith.select %eq3A_142, %broadcast_in_dim3A_144, %select_n3A_134 : vector<512x4096xi1>, vector<512x4096xi32>
    %reduce_min3A_146 = arith.constant dense<2147483647> : vector<512xi32>
    %reduce_min3A_147 = vector.multi_reduction <minsi>, %select_n3A_145, %reduce_min3A_146 [1] : vector<512x4096xi32> to vector<512xi32>
    %broadcast_in_dim3A_148 = vector.shape_cast %reduce_min3A_147 : vector<512xi32> to vector<512x1xi32>
    %and3A_149 = arith.constant 4095 : i32
    %and3A_150 = vector.broadcast %and3A_149 : i32 to vector<512x1xi32>
    %and3A_151 = arith.andi %broadcast_in_dim3A_148, %and3A_150 : vector<512x1xi32>
    %eq3A_152 = vector.broadcast %broadcast_in_dim3A_148 : vector<512x1xi32> to vector<512x4096xi32>
    %eq3A_153 = arith.cmpi eq, %select_n3A_145, %eq3A_152 : vector<512x4096xi32>
    %jit3A_154 = arith.constant 2147483647 : i32
    %broadcast_in_dim3A_155 = vector.broadcast %jit3A_154 : i32 to vector<512x4096xi32>
    %select_n3A_156 = arith.select %eq3A_153, %broadcast_in_dim3A_155, %select_n3A_145 : vector<512x4096xi1>, vector<512x4096xi32>
    %reduce_min3A_157 = arith.constant dense<2147483647> : vector<512xi32>
    %reduce_min3A_158 = vector.multi_reduction <minsi>, %select_n3A_156, %reduce_min3A_157 [1] : vector<512x4096xi32> to vector<512xi32>
    %broadcast_in_dim3A_159 = vector.shape_cast %reduce_min3A_158 : vector<512xi32> to vector<512x1xi32>
    %and3A_160 = arith.constant 4095 : i32
    %and3A_161 = vector.broadcast %and3A_160 : i32 to vector<512x1xi32>
    %and3A_162 = arith.andi %broadcast_in_dim3A_159, %and3A_161 : vector<512x1xi32>
    %eq3A_163 = vector.broadcast %broadcast_in_dim3A_159 : vector<512x1xi32> to vector<512x4096xi32>
    %eq3A_164 = arith.cmpi eq, %select_n3A_156, %eq3A_163 : vector<512x4096xi32>
    %jit3A_165 = arith.constant 2147483647 : i32
    %broadcast_in_dim3A_166 = vector.broadcast %jit3A_165 : i32 to vector<512x4096xi32>
    %select_n3A_167 = arith.select %eq3A_164, %broadcast_in_dim3A_166, %select_n3A_156 : vector<512x4096xi1>, vector<512x4096xi32>
    %reduce_min3A_168 = arith.constant dense<2147483647> : vector<512xi32>
    %reduce_min3A_169 = vector.multi_reduction <minsi>, %select_n3A_167, %reduce_min3A_168 [1] : vector<512x4096xi32> to vector<512xi32>
    %broadcast_in_dim3A_170 = vector.shape_cast %reduce_min3A_169 : vector<512xi32> to vector<512x1xi32>
    %and3A_171 = arith.constant 4095 : i32
    %and3A_172 = vector.broadcast %and3A_171 : i32 to vector<512x1xi32>
    %and3A_173 = arith.andi %broadcast_in_dim3A_170, %and3A_172 : vector<512x1xi32>
    %eq3A_174 = vector.broadcast %broadcast_in_dim3A_170 : vector<512x1xi32> to vector<512x4096xi32>
    %eq3A_175 = arith.cmpi eq, %select_n3A_167, %eq3A_174 : vector<512x4096xi32>
    %jit3A_176 = arith.constant 2147483647 : i32
    %broadcast_in_dim3A_177 = vector.broadcast %jit3A_176 : i32 to vector<512x4096xi32>
    %select_n3A_178 = arith.select %eq3A_175, %broadcast_in_dim3A_177, %select_n3A_167 : vector<512x4096xi1>, vector<512x4096xi32>
    %reduce_min3A_179 = arith.constant dense<2147483647> : vector<512xi32>
    %reduce_min3A_180 = vector.multi_reduction <minsi>, %select_n3A_178, %reduce_min3A_179 [1] : vector<512x4096xi32> to vector<512xi32>
    %broadcast_in_dim3A_181 = vector.shape_cast %reduce_min3A_180 : vector<512xi32> to vector<512x1xi32>
    %and3A_182 = arith.constant 4095 : i32
    %and3A_183 = vector.broadcast %and3A_182 : i32 to vector<512x1xi32>
    %and3A_184 = arith.andi %broadcast_in_dim3A_181, %and3A_183 : vector<512x1xi32>
    %eq3A_185 = vector.broadcast %broadcast_in_dim3A_181 : vector<512x1xi32> to vector<512x4096xi32>
    %eq3A_186 = arith.cmpi eq, %select_n3A_178, %eq3A_185 : vector<512x4096xi32>
    %jit3A_187 = arith.constant 2147483647 : i32
    %broadcast_in_dim3A_188 = vector.broadcast %jit3A_187 : i32 to vector<512x4096xi32>
    %select_n3A_189 = arith.select %eq3A_186, %broadcast_in_dim3A_188, %select_n3A_178 : vector<512x4096xi1>, vector<512x4096xi32>
    %reduce_min3A_190 = arith.constant dense<2147483647> : vector<512xi32>
    %reduce_min3A_191 = vector.multi_reduction <minsi>, %select_n3A_189, %reduce_min3A_190 [1] : vector<512x4096xi32> to vector<512xi32>
    %broadcast_in_dim3A_192 = vector.shape_cast %reduce_min3A_191 : vector<512xi32> to vector<512x1xi32>
    %and3A_193 = arith.constant 4095 : i32
    %and3A_194 = vector.broadcast %and3A_193 : i32 to vector<512x1xi32>
    %and3A_195 = arith.andi %broadcast_in_dim3A_192, %and3A_194 : vector<512x1xi32>
    %eq3A_196 = vector.broadcast %broadcast_in_dim3A_192 : vector<512x1xi32> to vector<512x4096xi32>
    %eq3A_197 = arith.cmpi eq, %select_n3A_189, %eq3A_196 : vector<512x4096xi32>
    %jit3A_198 = arith.constant 2147483647 : i32
    %broadcast_in_dim3A_199 = vector.broadcast %jit3A_198 : i32 to vector<512x4096xi32>
    %select_n3A_200 = arith.select %eq3A_197, %broadcast_in_dim3A_199, %select_n3A_189 : vector<512x4096xi1>, vector<512x4096xi32>
    %eq3A_201 = arith.constant 2147483647 : i32
    %eq3A_202 = vector.broadcast %eq3A_201 : i32 to vector<512x4096xi32>
    %eq3A_203 = arith.cmpi eq, %select_n3A_200, %eq3A_202 : vector<512x4096xi32>
    %jit3A_204 = arith.constant 0x7F800000 : f32
    %broadcast_in_dim3A_205 = vector.broadcast %jit3A_204 : f32 to vector<512x4096xf32>
    %select_n3A_206 = arith.select %eq3A_203, %broadcast_in_dim3A_205, %add3A_36 : vector<512x4096xi1>, vector<512x4096xf32>
    %reduce_min3A_207 = arith.constant dense<0x7F800000> : vector<512xf32>
    %reduce_min3A_208 = vector.multi_reduction <minimumf>, %select_n3A_206, %reduce_min3A_207 [1] : vector<512x4096xf32> to vector<512xf32>
    %broadcast_in_dim3A_209 = vector.shape_cast %reduce_min3A_208 : vector<512xf32> to vector<512x1xf32>
    %eq3A_210 = vector.broadcast %broadcast_in_dim3A_209 : vector<512x1xf32> to vector<512x4096xf32>
    %eq3A_211 = arith.cmpf oeq, %select_n3A_206, %eq3A_210 : vector<512x4096xf32>
    %jit3A_212 = arith.constant 4096 : i32
    %broadcast_in_dim3A_213 = vector.broadcast %jit3A_212 : i32 to vector<512x4096xi32>
    %select_n3A_214 = arith.select %eq3A_211, %iota3A, %broadcast_in_dim3A_213 : vector<512x4096xi1>, vector<512x4096xi32>
    %reduce_min3A_215 = arith.constant dense<2147483647> : vector<512xi32>
    %reduce_min3A_216 = vector.multi_reduction <minsi>, %select_n3A_214, %reduce_min3A_215 [1] : vector<512x4096xi32> to vector<512xi32>
    %broadcast_in_dim3A_217 = vector.shape_cast %reduce_min3A_216 : vector<512xi32> to vector<512x1xi32>
    %concatenate3A = tpu.concatenate %and3A_44, %and3A_52, %and3A_63, %and3A_74, %and3A_85, %and3A_96, %and3A_107, %and3A_118, %and3A_129, %and3A_140, %and3A_151, %and3A_162, %and3A_173, %and3A_184, %and3A_195, %broadcast_in_dim3A_217 in 1 : vector<512x1xi32>, vector<512x1xi32>, vector<512x1xi32>, vector<512x1xi32>, vector<512x1xi32>, vector<512x1xi32>, vector<512x1xi32>, vector<512x1xi32>, vector<512x1xi32>, vector<512x1xi32>, vector<512x1xi32>, vector<512x1xi32>, vector<512x1xi32>, vector<512x1xi32>, vector<512x1xi32>, vector<512x1xi32> -> vector<512x16xi32>
    %swap3A = arith.constant 0 : index
    %swap3A_218 = arith.constant 0 : index
    %swap3A_219 = arith.constant 0 : index
    %swap3A_220 = vector.load %arg4[%swap3A, %swap3A_218, %swap3A_219] : memref<1x512x16xi32, #tpu.memory_space<vmem>>, vector<1x512x16xi32>
    %swap3A_221 = vector.shape_cast %swap3A_220 : vector<1x512x16xi32> to vector<512x16xi32>
    %swap3A_222 = vector.shape_cast %concatenate3A : vector<512x16xi32> to vector<1x512x16xi32>
    tpu.vector_store %arg4[%swap3A, %swap3A_218, %swap3A_219], %swap3A_222 {strides = array<i32>} : memref<1x512x16xi32, #tpu.memory_space<vmem>>, vector<1x512x16xi32>,
    return
  }
  func.func @transform_0(%arg0: i32, %arg1: i32) -> (i32, i32, i32) {
    %c0_i32 = arith.constant 0 : i32
    %c0_i32_0 = arith.constant 0 : i32
    return %arg0, %arg1, %c0_i32 : i32, i32, i32
  }
  func.func @transform_1(%arg0: i32, %arg1: i32) -> (i32, i32, i32) {
    %c0_i32 = arith.constant 0 : i32
    %c0_i32_0 = arith.constant 0 : i32
    %c0_i32_1 = arith.constant 0 : i32
    return %arg0, %c0_i32, %c0_i32_0 : i32, i32, i32
  }
  func.func @transform_2(%arg0: i32, %arg1: i32) -> (i32, i32, i32) {
    %c0_i32 = arith.constant 0 : i32
    %c0_i32_0 = arith.constant 0 : i32
    return %arg0, %arg1, %c0_i32 : i32, i32, i32
  }
}

module attributes {stable_mosaic.version = 14 : i64} {
  func.func @_proj_body(%arg0: i32, %arg1: memref<2048x64xf32, #tpu.memory_space<vmem>>, %arg2: memref<2048x3xf32, #tpu.memory_space<vmem>>, %arg3: memref<128x131xf32, #tpu.memory_space<vmem>>, %arg4: memref<2048x128xf32, #tpu.memory_space<vmem>>) attributes {dimension_semantics = [#tpu.dimension_semantics<arbitrary>], iteration_bounds = array<i64: 8>, scalar_prefetch = 0 : i64, scratch_operands = 0 : i64, tpu.core_type = #tpu.core_type<tc>, window_params = [{transform_indices = @transform_0, window_bounds = array<i64: 2048, 64>}, {transform_indices = @transform_1, window_bounds = array<i64: 2048, 3>}, {pipeline_mode = #tpu.pipeline_mode<synchronous>, transform_indices = @transform_2, window_bounds = array<i64: 128, 131>}, {transform_indices = @transform_3, window_bounds = array<i64: 2048, 128>}]} {
    %get3A = arith.constant 0 : index
    %get3A_0 = arith.constant 0 : index
    %get3A_1 = vector.load %arg3[%get3A, %get3A_0] : memref<128x131xf32, #tpu.memory_space<vmem>>, vector<128x131xf32>
    %slice3A = vector.extract_strided_slice %get3A_1 {offsets = [0, 64], sizes = [128, 64], strides = [1, 1]} : vector<128x131xf32> to vector<128x64xf32>
    %slice3A_2 = vector.extract_strided_slice %get3A_1 {offsets = [0, 128], sizes = [128, 3], strides = [1, 1]} : vector<128x131xf32> to vector<128x3xf32>
    %get3A_3 = arith.constant 0 : index
    %get3A_4 = arith.constant 0 : index
    %get3A_5 = vector.load %arg1[%get3A_3, %get3A_4] : memref<2048x64xf32, #tpu.memory_space<vmem>>, vector<2048x64xf32>
    %dot_general3A = arith.constant dense<0.000000e+00> : vector<2048x128xf32>
    %dot_general3A_6 = tpu.matmul %get3A_5, %slice3A, %dot_general3A {dimension_numbers = #tpu.dot_dimension_numbers<[1], [1], [0], [0], [0, 0, 1, 0], [], []>, transpose_lhs_hint = false} : vector<2048x64xf32>, vector<128x64xf32>, vector<2048x128xf32> -> vector<2048x128xf32>
    %get3A_7 = arith.constant 0 : index
    %get3A_8 = arith.constant 0 : index
    %get3A_9 = vector.load %arg2[%get3A_7, %get3A_8] : memref<2048x3xf32, #tpu.memory_space<vmem>>, vector<2048x3xf32>
    %dot_general3A_10 = arith.constant dense<0.000000e+00> : vector<2048x128xf32>
    %dot_general3A_11 = tpu.matmul %get3A_9, %slice3A_2, %dot_general3A_10 {dimension_numbers = #tpu.dot_dimension_numbers<[1], [1], [0], [0], [0, 0, 1, 0], [], []>, transpose_lhs_hint = false} : vector<2048x3xf32>, vector<128x3xf32>, vector<2048x128xf32> -> vector<2048x128xf32>
    %add3A = arith.addf %dot_general3A_6, %dot_general3A_11 : vector<2048x128xf32>
    %swap3A = arith.constant 0 : index
    %swap3A_12 = arith.constant 0 : index
    %swap3A_13 = vector.load %arg4[%swap3A, %swap3A_12] : memref<2048x128xf32, #tpu.memory_space<vmem>>, vector<2048x128xf32>
    tpu.vector_store %arg4[%swap3A, %swap3A_12], %add3A {strides = array<i32>} : memref<2048x128xf32, #tpu.memory_space<vmem>>, vector<2048x128xf32>,
    return
  }
  func.func @transform_0(%arg0: i32) -> (i32, i32) {
    %c0_i32 = arith.constant 0 : i32
    %c0_i32_0 = arith.constant 0 : i32
    return %arg0, %c0_i32 : i32, i32
  }
  func.func @transform_1(%arg0: i32) -> (i32, i32) {
    %c0_i32 = arith.constant 0 : i32
    %c0_i32_0 = arith.constant 0 : i32
    return %arg0, %c0_i32 : i32, i32
  }
  func.func @transform_2(%arg0: i32) -> (i32, i32) {
    %c0_i32 = arith.constant 0 : i32
    %c0_i32_0 = arith.constant 0 : i32
    %c0_i32_1 = arith.constant 0 : i32
    return %c0_i32, %c0_i32_0 : i32, i32
  }
  func.func @transform_3(%arg0: i32) -> (i32, i32) {
    %c0_i32 = arith.constant 0 : i32
    %c0_i32_0 = arith.constant 0 : i32
    return %arg0, %c0_i32 : i32, i32
  }
}

module attributes {stable_mosaic.version = 14 : i64} {
  func.func @_mlp_body(%arg0: i32, %arg1: memref<512x64xf32, #tpu.memory_space<vmem>>, %arg2: memref<512x3xf32, #tpu.memory_space<vmem>>, %arg3: memref<8192x128xf32, #tpu.memory_space<vmem>>, %arg4: memref<128x131xf32, #tpu.memory_space<vmem>>, %arg5: memref<1x128xf32, #tpu.memory_space<vmem>>, %arg6: memref<128x128xf32, #tpu.memory_space<vmem>>, %arg7: memref<1x128xf32, #tpu.memory_space<vmem>>, %arg8: memref<128x128xf32, #tpu.memory_space<vmem>>, %arg9: memref<1x128xf32, #tpu.memory_space<vmem>>, %arg10: memref<512x128xf32, #tpu.memory_space<vmem>>) attributes {dimension_semantics = [#tpu.dimension_semantics<arbitrary>], iteration_bounds = array<i64: 16>, scalar_prefetch = 0 : i64, scratch_operands = 0 : i64, tpu.core_type = #tpu.core_type<tc>, window_params = [{transform_indices = @transform_0, window_bounds = array<i64: 512, 64>}, {transform_indices = @transform_1, window_bounds = array<i64: 512, 3>}, {transform_indices = @transform_2, window_bounds = array<i64: 8192, 128>}, {pipeline_mode = #tpu.pipeline_mode<synchronous>, transform_indices = @transform_3, window_bounds = array<i64: 128, 131>}, {pipeline_mode = #tpu.pipeline_mode<synchronous>, transform_indices = @transform_4, window_bounds = array<i64: 1, 128>}, {pipeline_mode = #tpu.pipeline_mode<synchronous>, transform_indices = @transform_5, window_bounds = array<i64: 128, 128>}, {pipeline_mode = #tpu.pipeline_mode<synchronous>, transform_indices = @transform_6, window_bounds = array<i64: 1, 128>}, {pipeline_mode = #tpu.pipeline_mode<synchronous>, transform_indices = @transform_7, window_bounds = array<i64: 128, 128>}, {pipeline_mode = #tpu.pipeline_mode<synchronous>, transform_indices = @transform_8, window_bounds = array<i64: 1, 128>}, {transform_indices = @transform_9, window_bounds = array<i64: 512, 128>}]} {
    %get3A = arith.constant 0 : index
    %get3A_0 = arith.constant 0 : index
    %get3A_1 = vector.load %arg4[%get3A, %get3A_0] : memref<128x131xf32, #tpu.memory_space<vmem>>, vector<128x131xf32>
    %slice3A = vector.extract_strided_slice %get3A_1 {offsets = [0, 0], sizes = [128, 64], strides = [1, 1]} : vector<128x131xf32> to vector<128x64xf32>
    %slice3A_2 = vector.extract_strided_slice %get3A_1 {offsets = [0, 128], sizes = [128, 3], strides = [1, 1]} : vector<128x131xf32> to vector<128x3xf32>
    %get3A_3 = arith.constant 0 : index
    %get3A_4 = arith.constant 0 : index
    %get3A_5 = vector.load %arg1[%get3A_3, %get3A_4] : memref<512x64xf32, #tpu.memory_space<vmem>>, vector<512x64xf32>
    %dot_general3A = arith.constant dense<0.000000e+00> : vector<512x128xf32>
    %dot_general3A_6 = tpu.matmul %get3A_5, %slice3A, %dot_general3A {dimension_numbers = #tpu.dot_dimension_numbers<[1], [1], [0], [0], [0, 0, 1, 0], [], []>, transpose_lhs_hint = false} : vector<512x64xf32>, vector<128x64xf32>, vector<512x128xf32> -> vector<512x128xf32>
    %get3A_7 = arith.constant 0 : index
    %get3A_8 = arith.constant 0 : index
    %get3A_9 = vector.load %arg2[%get3A_7, %get3A_8] : memref<512x3xf32, #tpu.memory_space<vmem>>, vector<512x3xf32>
    %dot_general3A_10 = arith.constant dense<0.000000e+00> : vector<512x128xf32>
    %dot_general3A_11 = tpu.matmul %get3A_9, %slice3A_2, %dot_general3A_10 {dimension_numbers = #tpu.dot_dimension_numbers<[1], [1], [0], [0], [0, 0, 1, 0], [], []>, transpose_lhs_hint = false} : vector<512x3xf32>, vector<128x3xf32>, vector<512x128xf32> -> vector<512x128xf32>
    %sub3A = arith.subf %dot_general3A_6, %dot_general3A_11 : vector<512x128xf32>
    %get3A_12 = arith.constant 0 : index
    %get3A_13 = arith.constant 0 : index
    %get3A_14 = vector.load %arg5[%get3A_12, %get3A_13] : memref<1x128xf32, #tpu.memory_space<vmem>>, vector<1x128xf32>
    %add3A = vector.broadcast %get3A_14 : vector<1x128xf32> to vector<512x128xf32>
    %add3A_15 = arith.addf %sub3A, %add3A : vector<512x128xf32>
    %get3A_16 = arith.constant 0 : index
    %get3A_17 = arith.constant 0 : index
    %get3A_18 = vector.load %arg3[%get3A_16, %get3A_17] : memref<8192x128xf32, #tpu.memory_space<vmem>>, vector<8192x128xf32>
    %reshape3A = vector.shape_cast %get3A_18 : vector<8192x128xf32> to vector<512x16x128xf32>
    %broadcast_in_dim3A = vector.shape_cast %add3A_15 : vector<512x128xf32> to vector<512x1x128xf32>
    %add3A_19 = vector.broadcast %broadcast_in_dim3A : vector<512x1x128xf32> to vector<512x16x128xf32>
    %add3A_20 = arith.addf %reshape3A, %add3A_19 : vector<512x16x128xf32>
    %gt3A = arith.constant 0.000000e+00 : f32
    %gt3A_21 = vector.broadcast %gt3A : f32 to vector<512x16x128xf32>
    %gt3A_22 = arith.cmpf ogt, %add3A_20, %gt3A_21 : vector<512x16x128xf32>
    %mul3A = arith.constant 1.000000e-01 : f32
    %mul3A_23 = vector.broadcast %mul3A : f32 to vector<512x16x128xf32>
    %mul3A_24 = arith.mulf %mul3A_23, %add3A_20 : vector<512x16x128xf32>
    %select_n3A = arith.select %gt3A_22, %add3A_20, %mul3A_24 : vector<512x16x128xi1>, vector<512x16x128xf32>
    %reshape3A_25 = vector.shape_cast %select_n3A : vector<512x16x128xf32> to vector<8192x128xf32>
    %get3A_26 = arith.constant 0 : index
    %get3A_27 = arith.constant 0 : index
    %get3A_28 = vector.load %arg6[%get3A_26, %get3A_27] : memref<128x128xf32, #tpu.memory_space<vmem>>, vector<128x128xf32>
    %convert_element_type3A = arith.truncf %get3A_28 : vector<128x128xf32> to vector<128x128xbf16>
    %get3A_29 = arith.constant 0 : index
    %get3A_30 = arith.constant 0 : index
    %get3A_31 = vector.load %arg7[%get3A_29, %get3A_30] : memref<1x128xf32, #tpu.memory_space<vmem>>, vector<1x128xf32>
    %convert_element_type3A_32 = arith.truncf %reshape3A_25 : vector<8192x128xf32> to vector<8192x128xbf16>
    %dot_general3A_33 = arith.constant dense<0.000000e+00> : vector<8192x128xf32>
    %dot_general3A_34 = tpu.matmul %convert_element_type3A_32, %convert_element_type3A, %dot_general3A_33 {dimension_numbers = #tpu.dot_dimension_numbers<[1], [1], [0], [0], [0, 0, 1, 0], [], []>, transpose_lhs_hint = false} : vector<8192x128xbf16>, vector<128x128xbf16>, vector<8192x128xf32> -> vector<8192x128xf32>
    %add3A_35 = vector.broadcast %get3A_31 : vector<1x128xf32> to vector<8192x128xf32>
    %add3A_36 = arith.addf %dot_general3A_34, %add3A_35 : vector<8192x128xf32>
    %gt3A_37 = arith.constant 0.000000e+00 : f32
    %gt3A_38 = vector.broadcast %gt3A_37 : f32 to vector<8192x128xf32>
    %gt3A_39 = arith.cmpf ogt, %add3A_36, %gt3A_38 : vector<8192x128xf32>
    %mul3A_40 = arith.constant 1.000000e-01 : f32
    %mul3A_41 = vector.broadcast %mul3A_40 : f32 to vector<8192x128xf32>
    %mul3A_42 = arith.mulf %mul3A_41, %add3A_36 : vector<8192x128xf32>
    %select_n3A_43 = arith.select %gt3A_39, %add3A_36, %mul3A_42 : vector<8192x128xi1>, vector<8192x128xf32>
    %get3A_44 = arith.constant 0 : index
    %get3A_45 = arith.constant 0 : index
    %get3A_46 = vector.load %arg8[%get3A_44, %get3A_45] : memref<128x128xf32, #tpu.memory_space<vmem>>, vector<128x128xf32>
    %convert_element_type3A_47 = arith.truncf %get3A_46 : vector<128x128xf32> to vector<128x128xbf16>
    %get3A_48 = arith.constant 0 : index
    %get3A_49 = arith.constant 0 : index
    %get3A_50 = vector.load %arg9[%get3A_48, %get3A_49] : memref<1x128xf32, #tpu.memory_space<vmem>>, vector<1x128xf32>
    %convert_element_type3A_51 = arith.truncf %select_n3A_43 : vector<8192x128xf32> to vector<8192x128xbf16>
    %dot_general3A_52 = arith.constant dense<0.000000e+00> : vector<8192x128xf32>
    %dot_general3A_53 = tpu.matmul %convert_element_type3A_51, %convert_element_type3A_47, %dot_general3A_52 {dimension_numbers = #tpu.dot_dimension_numbers<[1], [1], [0], [0], [0, 0, 1, 0], [], []>, transpose_lhs_hint = false} : vector<8192x128xbf16>, vector<128x128xbf16>, vector<8192x128xf32> -> vector<8192x128xf32>
    %add3A_54 = vector.broadcast %get3A_50 : vector<1x128xf32> to vector<8192x128xf32>
    %add3A_55 = arith.addf %dot_general3A_53, %add3A_54 : vector<8192x128xf32>
    %gt3A_56 = arith.constant 0.000000e+00 : f32
    %gt3A_57 = vector.broadcast %gt3A_56 : f32 to vector<8192x128xf32>
    %gt3A_58 = arith.cmpf ogt, %add3A_55, %gt3A_57 : vector<8192x128xf32>
    %mul3A_59 = arith.constant 1.000000e-01 : f32
    %mul3A_60 = vector.broadcast %mul3A_59 : f32 to vector<8192x128xf32>
    %mul3A_61 = arith.mulf %mul3A_60, %add3A_55 : vector<8192x128xf32>
    %select_n3A_62 = arith.select %gt3A_58, %add3A_55, %mul3A_61 : vector<8192x128xi1>, vector<8192x128xf32>
    %reshape3A_63 = vector.shape_cast %select_n3A_62 : vector<8192x128xf32> to vector<512x16x128xf32>
    %reduce_max3A = arith.constant dense<0xFF800000> : vector<512x128xf32>
    %reduce_max3A_64 = vector.multi_reduction <maximumf>, %reshape3A_63, %reduce_max3A [1] : vector<512x16x128xf32> to vector<512x128xf32>
    %swap3A = arith.constant 0 : index
    %swap3A_65 = arith.constant 0 : index
    %swap3A_66 = vector.load %arg10[%swap3A, %swap3A_65] : memref<512x128xf32, #tpu.memory_space<vmem>>, vector<512x128xf32>
    tpu.vector_store %arg10[%swap3A, %swap3A_65], %reduce_max3A_64 {strides = array<i32>} : memref<512x128xf32, #tpu.memory_space<vmem>>, vector<512x128xf32>,
    return
  }
  func.func @transform_0(%arg0: i32) -> (i32, i32) {
    %c0_i32 = arith.constant 0 : i32
    %c0_i32_0 = arith.constant 0 : i32
    return %arg0, %c0_i32 : i32, i32
  }
  func.func @transform_1(%arg0: i32) -> (i32, i32) {
    %c0_i32 = arith.constant 0 : i32
    %c0_i32_0 = arith.constant 0 : i32
    return %arg0, %c0_i32 : i32, i32
  }
  func.func @transform_2(%arg0: i32) -> (i32, i32) {
    %c0_i32 = arith.constant 0 : i32
    %c0_i32_0 = arith.constant 0 : i32
    return %arg0, %c0_i32 : i32, i32
  }
  func.func @transform_3(%arg0: i32) -> (i32, i32) {
    %c0_i32 = arith.constant 0 : i32
    %c0_i32_0 = arith.constant 0 : i32
    %c0_i32_1 = arith.constant 0 : i32
    return %c0_i32, %c0_i32_0 : i32, i32
  }
  func.func @transform_4(%arg0: i32) -> (i32, i32) {
    %c0_i32 = arith.constant 0 : i32
    %c0_i32_0 = arith.constant 0 : i32
    %c0_i32_1 = arith.constant 0 : i32
    return %c0_i32, %c0_i32_0 : i32, i32
  }
  func.func @transform_5(%arg0: i32) -> (i32, i32) {
    %c0_i32 = arith.constant 0 : i32
    %c0_i32_0 = arith.constant 0 : i32
    %c0_i32_1 = arith.constant 0 : i32
    return %c0_i32, %c0_i32_0 : i32, i32
  }
  func.func @transform_6(%arg0: i32) -> (i32, i32) {
    %c0_i32 = arith.constant 0 : i32
    %c0_i32_0 = arith.constant 0 : i32
    %c0_i32_1 = arith.constant 0 : i32
    return %c0_i32, %c0_i32_0 : i32, i32
  }
  func.func @transform_7(%arg0: i32) -> (i32, i32) {
    %c0_i32 = arith.constant 0 : i32
    %c0_i32_0 = arith.constant 0 : i32
    %c0_i32_1 = arith.constant 0 : i32
    return %c0_i32, %c0_i32_0 : i32, i32
  }
  func.func @transform_8(%arg0: i32) -> (i32, i32) {
    %c0_i32 = arith.constant 0 : i32
    %c0_i32_0 = arith.constant 0 : i32
    %c0_i32_1 = arith.constant 0 : i32
    return %c0_i32, %c0_i32_0 : i32, i32
  }
  func.func @transform_9(%arg0: i32) -> (i32, i32) {
    %c0_i32 = arith.constant 0 : i32
    %c0_i32_0 = arith.constant 0 : i32
    return %arg0, %c0_i32 : i32, i32
  }
}

module attributes {stable_mosaic.version = 14 : i64} {
  func.func @_proj_body(%arg0: i32, %arg1: memref<2048x128xf32, #tpu.memory_space<vmem>>, %arg2: memref<2048x3xf32, #tpu.memory_space<vmem>>, %arg3: memref<128x259xf32, #tpu.memory_space<vmem>>, %arg4: memref<2048x128xf32, #tpu.memory_space<vmem>>) attributes {dimension_semantics = [#tpu.dimension_semantics<arbitrary>], iteration_bounds = array<i64: 4>, scalar_prefetch = 0 : i64, scratch_operands = 0 : i64, tpu.core_type = #tpu.core_type<tc>, window_params = [{transform_indices = @transform_0, window_bounds = array<i64: 2048, 128>}, {transform_indices = @transform_1, window_bounds = array<i64: 2048, 3>}, {pipeline_mode = #tpu.pipeline_mode<synchronous>, transform_indices = @transform_2, window_bounds = array<i64: 128, 259>}, {transform_indices = @transform_3, window_bounds = array<i64: 2048, 128>}]} {
    %get3A = arith.constant 0 : index
    %get3A_0 = arith.constant 0 : index
    %get3A_1 = vector.load %arg3[%get3A, %get3A_0] : memref<128x259xf32, #tpu.memory_space<vmem>>, vector<128x259xf32>
    %slice3A = vector.extract_strided_slice %get3A_1 {offsets = [0, 128], sizes = [128, 128], strides = [1, 1]} : vector<128x259xf32> to vector<128x128xf32>
    %slice3A_2 = vector.extract_strided_slice %get3A_1 {offsets = [0, 256], sizes = [128, 3], strides = [1, 1]} : vector<128x259xf32> to vector<128x3xf32>
    %get3A_3 = arith.constant 0 : index
    %get3A_4 = arith.constant 0 : index
    %get3A_5 = vector.load %arg1[%get3A_3, %get3A_4] : memref<2048x128xf32, #tpu.memory_space<vmem>>, vector<2048x128xf32>
    %dot_general3A = arith.constant dense<0.000000e+00> : vector<2048x128xf32>
    %dot_general3A_6 = tpu.matmul %get3A_5, %slice3A, %dot_general3A {dimension_numbers = #tpu.dot_dimension_numbers<[1], [1], [0], [0], [0, 0, 1, 0], [], []>, transpose_lhs_hint = false} : vector<2048x128xf32>, vector<128x128xf32>, vector<2048x128xf32> -> vector<2048x128xf32>
    %get3A_7 = arith.constant 0 : index
    %get3A_8 = arith.constant 0 : index
    %get3A_9 = vector.load %arg2[%get3A_7, %get3A_8] : memref<2048x3xf32, #tpu.memory_space<vmem>>, vector<2048x3xf32>
    %dot_general3A_10 = arith.constant dense<0.000000e+00> : vector<2048x128xf32>
    %dot_general3A_11 = tpu.matmul %get3A_9, %slice3A_2, %dot_general3A_10 {dimension_numbers = #tpu.dot_dimension_numbers<[1], [1], [0], [0], [0, 0, 1, 0], [], []>, transpose_lhs_hint = false} : vector<2048x3xf32>, vector<128x3xf32>, vector<2048x128xf32> -> vector<2048x128xf32>
    %add3A = arith.addf %dot_general3A_6, %dot_general3A_11 : vector<2048x128xf32>
    %swap3A = arith.constant 0 : index
    %swap3A_12 = arith.constant 0 : index
    %swap3A_13 = vector.load %arg4[%swap3A, %swap3A_12] : memref<2048x128xf32, #tpu.memory_space<vmem>>, vector<2048x128xf32>
    tpu.vector_store %arg4[%swap3A, %swap3A_12], %add3A {strides = array<i32>} : memref<2048x128xf32, #tpu.memory_space<vmem>>, vector<2048x128xf32>,
    return
  }
  func.func @transform_0(%arg0: i32) -> (i32, i32) {
    %c0_i32 = arith.constant 0 : i32
    %c0_i32_0 = arith.constant 0 : i32
    return %arg0, %c0_i32 : i32, i32
  }
  func.func @transform_1(%arg0: i32) -> (i32, i32) {
    %c0_i32 = arith.constant 0 : i32
    %c0_i32_0 = arith.constant 0 : i32
    return %arg0, %c0_i32 : i32, i32
  }
  func.func @transform_2(%arg0: i32) -> (i32, i32) {
    %c0_i32 = arith.constant 0 : i32
    %c0_i32_0 = arith.constant 0 : i32
    %c0_i32_1 = arith.constant 0 : i32
    return %c0_i32, %c0_i32_0 : i32, i32
  }
  func.func @transform_3(%arg0: i32) -> (i32, i32) {
    %c0_i32 = arith.constant 0 : i32
    %c0_i32_0 = arith.constant 0 : i32
    return %arg0, %c0_i32 : i32, i32
  }
}

module attributes {stable_mosaic.version = 14 : i64} {
  func.func @_mlp_body(%arg0: i32, %arg1: memref<512x128xf32, #tpu.memory_space<vmem>>, %arg2: memref<512x3xf32, #tpu.memory_space<vmem>>, %arg3: memref<8192x128xf32, #tpu.memory_space<vmem>>, %arg4: memref<128x259xf32, #tpu.memory_space<vmem>>, %arg5: memref<1x128xf32, #tpu.memory_space<vmem>>, %arg6: memref<128x128xf32, #tpu.memory_space<vmem>>, %arg7: memref<1x128xf32, #tpu.memory_space<vmem>>, %arg8: memref<512x128xf32, #tpu.memory_space<vmem>>) attributes {dimension_semantics = [#tpu.dimension_semantics<arbitrary>], iteration_bounds = array<i64: 16>, scalar_prefetch = 0 : i64, scratch_operands = 0 : i64, tpu.core_type = #tpu.core_type<tc>, window_params = [{transform_indices = @transform_0, window_bounds = array<i64: 512, 128>}, {transform_indices = @transform_1, window_bounds = array<i64: 512, 3>}, {transform_indices = @transform_2, window_bounds = array<i64: 8192, 128>}, {pipeline_mode = #tpu.pipeline_mode<synchronous>, transform_indices = @transform_3, window_bounds = array<i64: 128, 259>}, {pipeline_mode = #tpu.pipeline_mode<synchronous>, transform_indices = @transform_4, window_bounds = array<i64: 1, 128>}, {pipeline_mode = #tpu.pipeline_mode<synchronous>, transform_indices = @transform_5, window_bounds = array<i64: 128, 128>}, {pipeline_mode = #tpu.pipeline_mode<synchronous>, transform_indices = @transform_6, window_bounds = array<i64: 1, 128>}, {transform_indices = @transform_7, window_bounds = array<i64: 512, 128>}]} {
    %get3A = arith.constant 0 : index
    %get3A_0 = arith.constant 0 : index
    %get3A_1 = vector.load %arg4[%get3A, %get3A_0] : memref<128x259xf32, #tpu.memory_space<vmem>>, vector<128x259xf32>
    %slice3A = vector.extract_strided_slice %get3A_1 {offsets = [0, 0], sizes = [128, 128], strides = [1, 1]} : vector<128x259xf32> to vector<128x128xf32>
    %slice3A_2 = vector.extract_strided_slice %get3A_1 {offsets = [0, 256], sizes = [128, 3], strides = [1, 1]} : vector<128x259xf32> to vector<128x3xf32>
    %get3A_3 = arith.constant 0 : index
    %get3A_4 = arith.constant 0 : index
    %get3A_5 = vector.load %arg1[%get3A_3, %get3A_4] : memref<512x128xf32, #tpu.memory_space<vmem>>, vector<512x128xf32>
    %dot_general3A = arith.constant dense<0.000000e+00> : vector<512x128xf32>
    %dot_general3A_6 = tpu.matmul %get3A_5, %slice3A, %dot_general3A {dimension_numbers = #tpu.dot_dimension_numbers<[1], [1], [0], [0], [0, 0, 1, 0], [], []>, transpose_lhs_hint = false} : vector<512x128xf32>, vector<128x128xf32>, vector<512x128xf32> -> vector<512x128xf32>
    %get3A_7 = arith.constant 0 : index
    %get3A_8 = arith.constant 0 : index
    %get3A_9 = vector.load %arg2[%get3A_7, %get3A_8] : memref<512x3xf32, #tpu.memory_space<vmem>>, vector<512x3xf32>
    %dot_general3A_10 = arith.constant dense<0.000000e+00> : vector<512x128xf32>
    %dot_general3A_11 = tpu.matmul %get3A_9, %slice3A_2, %dot_general3A_10 {dimension_numbers = #tpu.dot_dimension_numbers<[1], [1], [0], [0], [0, 0, 1, 0], [], []>, transpose_lhs_hint = false} : vector<512x3xf32>, vector<128x3xf32>, vector<512x128xf32> -> vector<512x128xf32>
    %sub3A = arith.subf %dot_general3A_6, %dot_general3A_11 : vector<512x128xf32>
    %get3A_12 = arith.constant 0 : index
    %get3A_13 = arith.constant 0 : index
    %get3A_14 = vector.load %arg5[%get3A_12, %get3A_13] : memref<1x128xf32, #tpu.memory_space<vmem>>, vector<1x128xf32>
    %add3A = vector.broadcast %get3A_14 : vector<1x128xf32> to vector<512x128xf32>
    %add3A_15 = arith.addf %sub3A, %add3A : vector<512x128xf32>
    %get3A_16 = arith.constant 0 : index
    %get3A_17 = arith.constant 0 : index
    %get3A_18 = vector.load %arg3[%get3A_16, %get3A_17] : memref<8192x128xf32, #tpu.memory_space<vmem>>, vector<8192x128xf32>
    %reshape3A = vector.shape_cast %get3A_18 : vector<8192x128xf32> to vector<512x16x128xf32>
    %broadcast_in_dim3A = vector.shape_cast %add3A_15 : vector<512x128xf32> to vector<512x1x128xf32>
    %add3A_19 = vector.broadcast %broadcast_in_dim3A : vector<512x1x128xf32> to vector<512x16x128xf32>
    %add3A_20 = arith.addf %reshape3A, %add3A_19 : vector<512x16x128xf32>
    %gt3A = arith.constant 0.000000e+00 : f32
    %gt3A_21 = vector.broadcast %gt3A : f32 to vector<512x16x128xf32>
    %gt3A_22 = arith.cmpf ogt, %add3A_20, %gt3A_21 : vector<512x16x128xf32>
    %mul3A = arith.constant 1.000000e-01 : f32
    %mul3A_23 = vector.broadcast %mul3A : f32 to vector<512x16x128xf32>
    %mul3A_24 = arith.mulf %mul3A_23, %add3A_20 : vector<512x16x128xf32>
    %select_n3A = arith.select %gt3A_22, %add3A_20, %mul3A_24 : vector<512x16x128xi1>, vector<512x16x128xf32>
    %reshape3A_25 = vector.shape_cast %select_n3A : vector<512x16x128xf32> to vector<8192x128xf32>
    %get3A_26 = arith.constant 0 : index
    %get3A_27 = arith.constant 0 : index
    %get3A_28 = vector.load %arg6[%get3A_26, %get3A_27] : memref<128x128xf32, #tpu.memory_space<vmem>>, vector<128x128xf32>
    %convert_element_type3A = arith.truncf %get3A_28 : vector<128x128xf32> to vector<128x128xbf16>
    %get3A_29 = arith.constant 0 : index
    %get3A_30 = arith.constant 0 : index
    %get3A_31 = vector.load %arg7[%get3A_29, %get3A_30] : memref<1x128xf32, #tpu.memory_space<vmem>>, vector<1x128xf32>
    %convert_element_type3A_32 = arith.truncf %reshape3A_25 : vector<8192x128xf32> to vector<8192x128xbf16>
    %dot_general3A_33 = arith.constant dense<0.000000e+00> : vector<8192x128xf32>
    %dot_general3A_34 = tpu.matmul %convert_element_type3A_32, %convert_element_type3A, %dot_general3A_33 {dimension_numbers = #tpu.dot_dimension_numbers<[1], [1], [0], [0], [0, 0, 1, 0], [], []>, transpose_lhs_hint = false} : vector<8192x128xbf16>, vector<128x128xbf16>, vector<8192x128xf32> -> vector<8192x128xf32>
    %add3A_35 = vector.broadcast %get3A_31 : vector<1x128xf32> to vector<8192x128xf32>
    %add3A_36 = arith.addf %dot_general3A_34, %add3A_35 : vector<8192x128xf32>
    %gt3A_37 = arith.constant 0.000000e+00 : f32
    %gt3A_38 = vector.broadcast %gt3A_37 : f32 to vector<8192x128xf32>
    %gt3A_39 = arith.cmpf ogt, %add3A_36, %gt3A_38 : vector<8192x128xf32>
    %mul3A_40 = arith.constant 1.000000e-01 : f32
    %mul3A_41 = vector.broadcast %mul3A_40 : f32 to vector<8192x128xf32>
    %mul3A_42 = arith.mulf %mul3A_41, %add3A_36 : vector<8192x128xf32>
    %select_n3A_43 = arith.select %gt3A_39, %add3A_36, %mul3A_42 : vector<8192x128xi1>, vector<8192x128xf32>
    %reshape3A_44 = vector.shape_cast %select_n3A_43 : vector<8192x128xf32> to vector<512x16x128xf32>
    %reduce_max3A = arith.constant dense<0xFF800000> : vector<512x128xf32>
    %reduce_max3A_45 = vector.multi_reduction <maximumf>, %reshape3A_44, %reduce_max3A [1] : vector<512x16x128xf32> to vector<512x128xf32>
    %swap3A = arith.constant 0 : index
    %swap3A_46 = arith.constant 0 : index
    %swap3A_47 = vector.load %arg8[%swap3A, %swap3A_46] : memref<512x128xf32, #tpu.memory_space<vmem>>, vector<512x128xf32>
    tpu.vector_store %arg8[%swap3A, %swap3A_46], %reduce_max3A_45 {strides = array<i32>} : memref<512x128xf32, #tpu.memory_space<vmem>>, vector<512x128xf32>,
    return
  }
  func.func @transform_0(%arg0: i32) -> (i32, i32) {
    %c0_i32 = arith.constant 0 : i32
    %c0_i32_0 = arith.constant 0 : i32
    return %arg0, %c0_i32 : i32, i32
  }
  func.func @transform_1(%arg0: i32) -> (i32, i32) {
    %c0_i32 = arith.constant 0 : i32
    %c0_i32_0 = arith.constant 0 : i32
    return %arg0, %c0_i32 : i32, i32
  }
  func.func @transform_2(%arg0: i32) -> (i32, i32) {
    %c0_i32 = arith.constant 0 : i32
    %c0_i32_0 = arith.constant 0 : i32
    return %arg0, %c0_i32 : i32, i32
  }
  func.func @transform_3(%arg0: i32) -> (i32, i32) {
    %c0_i32 = arith.constant 0 : i32
    %c0_i32_0 = arith.constant 0 : i32
    %c0_i32_1 = arith.constant 0 : i32
    return %c0_i32, %c0_i32_0 : i32, i32
  }
  func.func @transform_4(%arg0: i32) -> (i32, i32) {
    %c0_i32 = arith.constant 0 : i32
    %c0_i32_0 = arith.constant 0 : i32
    %c0_i32_1 = arith.constant 0 : i32
    return %c0_i32, %c0_i32_0 : i32, i32
  }
  func.func @transform_5(%arg0: i32) -> (i32, i32) {
    %c0_i32 = arith.constant 0 : i32
    %c0_i32_0 = arith.constant 0 : i32
    %c0_i32_1 = arith.constant 0 : i32
    return %c0_i32, %c0_i32_0 : i32, i32
  }
  func.func @transform_6(%arg0: i32) -> (i32, i32) {
    %c0_i32 = arith.constant 0 : i32
    %c0_i32_0 = arith.constant 0 : i32
    %c0_i32_1 = arith.constant 0 : i32
    return %c0_i32, %c0_i32_0 : i32, i32
  }
  func.func @transform_7(%arg0: i32) -> (i32, i32) {
    %c0_i32 = arith.constant 0 : i32
    %c0_i32_0 = arith.constant 0 : i32
    return %arg0, %c0_i32 : i32, i32
  }
}

</mosaic_0001>

<sc_bundles>
// kernel: kernel.12.cloned.1.call-start
scs
__scs_entry_jumppad:
0x0: {  	(pc) =	sbr.rel $0x88, $3  }
0x1: {  	(tag) =	ssettag $0x0;
	lr =	simm.s32 $0x1  }
0x2: {  	[smem:$0x3F93] =	sst lr;
	_ =	strace $0xD0000000  }
0x3: {  	_ = 	snop  }
0x4: {  	_ = 	snop  }
0x5: {  	_ = 	snop  }
0x6: {  	_ = 	snop  }
0x7: {  	_ = 	snop  }
__scs_overlays_trampoline_lowered:
0x8: {  	[smem:$0x3FA2] =	sst s0  }
0x9: {  	[smem:$0x3FA3] =	sst s1  }
0xa: {  	[smem:$0x3FA4] =	sst s2  }
0xb: {  	[smem:$0x3FA5] =	sst s3  }
0xc: {  	[smem:$0x3FA6] =	sst s4  }
0xd: {  	[smem:$0x3FA7] =	sst s5  }
0xe: {  	[smem:$0x3FA8] =	sst s6  }
0xf: {  	[smem:$0x3FA9] =	sst s7  }
0x10: {  	[smem:$0x3FAA] =	sst s8  }
0x11: {  	[smem:$0x3FAB] =	sst s9;
	s0 =	simm.s32 @!p0 $0x0  }
0x12: {  	s1 =	sld [smem:$0x3F91];
	s0 =	simm.s32 @p0 $0x1  }
0x13: {  	[smem:$0x3FAC] =	sst s0;
	s0 =	simm.s32 @!p1 $0x0  }
0x14: {  	s2 =	sld [smem:$0x3F90];
	s0 =	simm.s32 @p1 $0x1  }
0x15: {  	[smem:$0x3FAD] =	sst s0;
	s0 =	simm.s32 @!p2 $0x0  }
0x16: {  	s3 =	sld [smem:$0x3FDB];
	s0 =	simm.s32 @p2 $0x1  }
0x17: {  	s4 =	simm.s32 $0x1BF5;
	[smem:$0x3FAF] =	sst s0  }
0x18: {  	s0 =	sld [smem:$0x3F92];
	_ =	swait.ge [sflag:s4], $0x0  }
0x19: {  	s7 =	sld [smem:$0x3F93]  }
0x1a: {  	s8 =	sadd.s32 $0xFFFFE003, lr  }
0x1b: {  	s9 =	sadd.s32 $0xFFFFFEF7, lr;
	s5 =	simm.s32 $0xFFFFFFFF;
	p2 =	slt.u32 s8, $0xFFFFF086  }
0x1c: {  	p1 =	slt.u32 s9, $0xF7A;
	s5 =	simm.s32 @!p2 $0x0  }
0x1d: {  	s5 =	simm.s32 @p1 $0x1;
	p0 =	seq.s32 s7, s2  }
0x1e: {  	s7 =	smul.u32 @!p0 $0xF7A, s2;
	p2 =	seq.s32 @!p0 s5, $0x0  }
0x1f: {  	s9 =	smul.u32 $0xF7A, s1;
	s8 =	simm.s32 @!p0 $0x1BF5;
	p2 =	por !p2, p0  }
0x20: {  	[sflag:s8] =	ssyncset.s32 @!p0 $0xFFFFF086;
	s6 =	sadd.s32 @!p0 s3, s7;
	s7 =	simm.s32 @!p0 $0x108  }
0x21: {  	s3 =	sadd.s32 s3, s9;
	s6 =	sadd.s32 @!p0 $0x88, s6;
	s7 =	simm.s32 @p2 $0x1082  }
0x22: {  	[simem:s7], [sflag:s8] =	dma.local @!p0 [hbm:s6], $0xF7A  }
0x23: {  	s9 =	sor.u32 $0xD0000000, s2;
	s6 =	simm.s32 $0x108;
	_ =	swait.ge @!p0 [sflag:s8], $0x0  }
0x24: {  	s3 =	sadd.s32 $0x88, s3;
	s6 =	simm.s32 @!p1 $0x1082;
	[sflag:s4] =	ssyncset.s32 $0xFFFFF086  }
0x25: {  	[simem:s6], [sflag:s4] =	dma.local [hbm:s3], $0xF7A  }
0x26: {  	[smem:$0x3F93] =	sst s1;
	(tag) =	ssettag s2;
	_ =	strace s9  }
0x27: {  	s1 =	sld [smem:$0x3FA3]  }
0x28: {  	s2 =	sld [smem:$0x3FA4]  }
0x29: {  	s4 =	sld [smem:$0x3FA6]  }
0x2a: {  	p0 =	seq.s32 s5, $0x0;
	s5 =	sld [smem:$0x3FA7]  }
0x2b: {  	s6 =	sld [smem:$0x3FA8]  }
0x2c: {  	s7 =	sld [smem:$0x3FA9]  }
0x2d: {  	s3 =	simm.s32 $0x108;
	s8 =	sld [smem:$0x3FAA]  }
0x2e: {  	s3 =	simm.s32 @!p0 $0x1082;
	s9 =	sld [smem:$0x3FAB]  }
0x2f: {  	lr =	sadd.s32 s0, s3;
	s0 =	sld [smem:$0x3FA2]  }
0x30: {  	s3 =	sld [smem:$0x3FA5]  }
0x31: {  	[smem:$0x3FAE] =	sst s10  }
0x32: {  	s10 =	sld [smem:$0x3FAC];
	_ =	sdelay $0x3  }
0x33: {  	p0 =	seq.s32 s10, $0x1;
	s10 =	sld [smem:$0x3FAE];
	_ =	sdelay $0x3  }
0x34: {  	[smem:$0x3FAE] =	sst s10  }
0x35: {  	s10 =	sld [smem:$0x3FAD];
	_ =	sdelay $0x3  }
0x36: {  	p1 =	seq.s32 s10, $0x1;
	s10 =	sld [smem:$0x3FAE];
	_ =	sdelay $0x3  }
0x37: {  	[smem:$0x3FAE] =	sst s10  }
0x38: {  	s10 =	sld [smem:$0x3FAF]  }
0x39: {  	_ = 	snop;
	(pc) =	sbr.ind lr, $3  }
0x3a: {  	_ = 	snop  }
0x3b: {  	_ = 	snop  }
0x3c: {  	p2 =	seq.s32 s10, $0x1;
	s10 =	sld [smem:$0x3FAE]  }
0x3d: {  	_ =	shalt  }
0x3e: {  	_ =	shalt  }
0x3f: {  	_ =	shalt  }
0x40: {  	_ =	shalt  }
0x41: {  	_ =	shalt  }
0x42: {  	_ =	shalt  }
0x43: {  	_ =	shalt  }
0x44: {  	_ =	shalt  }
0x45: {  	_ =	shalt  }
0x46: {  	_ =	shalt  }
0x47: {  	_ =	shalt  }
0x48: {  	_ =	shalt  }
0x49: {  	_ =	shalt  }
0x4a: {  	_ =	shalt  }
0x4b: {  	_ =	shalt  }
0x4c: {  	_ =	shalt  }
0x4d: {  	_ =	shalt  }
0x4e: {  	_ =	shalt  }
0x4f: {  	_ =	shalt  }
0x50: {  	_ =	shalt  }
0x51: {  	_ =	shalt  }
0x52: {  	_ =	shalt  }
0x53: {  	_ =	shalt  }
0x54: {  	_ =	shalt  }
0x55: {  	_ =	shalt  }
0x56: {  	_ =	shalt  }
0x57: {  	_ =	shalt  }
0x58: {  	_ =	shalt  }
0x59: {  	_ =	shalt  }
0x5a: {  	_ =	shalt  }
0x5b: {  	_ =	shalt  }
0x5c: {  	_ =	shalt  }
0x5d: {  	_ =	shalt  }
0x5e: {  	_ =	shalt  }
0x5f: {  	_ =	shalt  }
0x60: {  	_ =	shalt  }
0x61: {  	_ =	shalt  }
0x62: {  	_ =	shalt  }
0x63: {  	_ =	shalt  }
0x64: {  	_ =	shalt  }
0x65: {  	_ =	shalt  }
0x66: {  	_ =	shalt  }
0x67: {  	_ =	shalt  }
0x68: {  	_ =	shalt  }
0x69: {  	_ =	shalt  }
0x6a: {  	_ =	shalt  }
0x6b: {  	_ =	shalt  }
0x6c: {  	_ =	shalt  }
0x6d: {  	_ =	shalt  }
0x6e: {  	_ =	shalt  }
0x6f: {  	_ =	shalt  }
0x70: {  	_ =	shalt  }
0x71: {  	_ =	shalt  }
0x72: {  	_ =	shalt  }
0x73: {  	_ =	shalt  }
0x74: {  	_ =	shalt  }
0x75: {  	_ =	shalt  }
0x76: {  	_ =	shalt  }
0x77: {  	_ =	shalt  }
0x78: {  	_ =	shalt  }
0x79: {  	_ =	shalt  }
0x7a: {  	_ =	shalt  }
0x7b: {  	_ =	shalt  }
0x7c: {  	_ =	shalt  }
0x7d: {  	_ =	shalt  }
0x7e: {  	_ =	shalt  }
0x7f: {  	_ =	shalt  }
0x80: {  	_ =	shalt  }
0x81: {  	_ =	shalt  }
0x82: {  	_ =	shalt  }
0x83: {  	_ =	shalt  }
0x84: {  	_ =	shalt  }
0x85: {  	_ =	shalt  }
0x86: {  	_ =	shalt  }
0x87: {  	_ =	shalt  }
.Lfunc_end0:
.L_simem_size_0:
called_computation_lowered:
.L_overlay_start_0:
0x88: {  	s2 =	sld [smem:$0x3FD9]  }
0x89: {  	s3 =	sld [smem:$0x3FFE];
	_ =	sdelay $0x1  }
0x8a: {  	s1 =	srdreg.scid  }
0x8b: {  	s0 =	sand.u32 $0x1, s1  }
0x8c: {  	s14 =	sshll.u32 s0, $0xA;
	s2 =	sadd.s32 s3, s2  }
0x8d: {  	s2 =	sadd.s32 s2, s14  }
0x8e: {  	[smem:$0x3FBA] =	sst s2  }
0x8f: {  	_ = 	snop  }
0x90: {  	s2 =	sld [smem:$0x3FD0];
	_ =	sdelay $0x2  }
0x91: {  	s15 =	simm.s32 $0xB;
	s4 =	simm.s32 $0x10  }
0x92: {  	[smem:s4], [sflag:s15] =	dma.local [hbm:s2], $0x1  }
0x93: {  	_ =	swait.eq [sflag:s15], $0x1  }
0x94: {  	[sflag:s15] =	ssyncset.done $0x0  }
0x95: {  	[sflag:s15] =	ssyncadd.s32 $0xFFFFFFFF  }
0x96: {  	s16 =	sld [smem:$0x10];
	(tm) =	ssettm $0x1  }
0x97: {  	s17 =	sld [smem:$0x3FFB];
	_ =	sdelay $0x3  }
0x98: {  	_ =	strace s17  }
0x99: {  	s3 =	sld [smem:$0x3FFC];
	_ =	sdelay $0x3  }
0x9a: {  	_ =	strace s3  }
0x9b: {  	s3 =	sld [smem:$0x3FFD];
	_ =	sdelay $0x3  }
0x9c: {  	_ =	strace s3  }
0x9d: {  	_ =	strace $0x8FFFFFFF  }
0x9e: {  	s18 =	sld [smem:$0x3FDB];
	_ =	sdelay $0x1  }
0x9f: {  	s19 =	simm.s32 $_scs_section_size  }
0xa0: {  	s5 =	simm.s32 $_size__tile_overlayer_lowered;
	s6 =	simm.s32 $_tile_overlayer_lowered  }
0xa1: {  	s22 =	simm.s32 $0x1BFF;
	s21 =	sshll.u32 s6, $0x1;
	s3 =	sadd.s32 s19, s18  }
0xa2: {  	s7 =	simm.s32 $0x0;
	s20 =	sshll.u32 s5, $0x1;
	s5 =	sadd.s32 s21, s3  }
0xa3: {  	[timem:s7], [sflag:s22] =	dma.local [hbm:s5], s20  }
0xa4: {  	_ =	swait.ge [sflag:s22], s20  }
0xa5: {  	s4 =	ssub.s32 $0x0, s20;
	[sflag:s22] =	ssyncset.done $0x0  }
0xa6: {  	[sflag:s22] =	ssyncadd.s32 s4;
	_ =	sdelay $0x1  }
0xa7: {  	s23 =	simm.s32 $0x1B8B  }
0xa8: {  	_ =	swait.ge [sflag:s23], $0x1  }
0xa9: {  	[sflag:s23] =	ssyncset.done $0x0  }
0xaa: {  	s25 =	simm.s32 $0x1B8E;
	s24 =	sld [smem:$0x3FFE];
	[sflag:s23] =	ssyncadd.s32 $0xFFFFFFFF  }
0xab: {  	s26 =	simm.s32 $execute0_lowered;
	[smem:$0x3FD2] =	sst s25  }
0xac: {  	s5 =	sshll.u32 s26, $0x1;
	_ =	strace $0x80000046;
	[dreg:$0x1] =	wrdreg $0xFFFFFFFF  }
0xad: {  	s28 =	simm.s32 $_size_execute0_lowered;
	s3 =	sadd.s32 s3, s5;
	[dreg:$0x0] =	wrdreg $0x0  }
0xae: {  	s5 =	sshll.u32 s28, $0x1;
	[dreg:$0x2] =	wrdreg s3  }
0xaf: {  	[dreg:$0x3] =	wrdreg s5  }
0xb0: {  	[dreg:$0x4] =	wrdreg $0xC0  }
0xb1: {  	_ =	task [dreg:s7], $0x5FFFF  }
0xb2: {  	[dreg:$0x1] =	wrdreg $0xFFFFFFFF  }
0xb3: {  	[dreg:$0x0] =	wrdreg $0x60  }
0xb4: {  	[dreg:$0x2] =	wrdreg s24  }
0xb5: {  	[dreg:$0x3] =	wrdreg s16  }
0xb6: {  	[dreg:$0x4] =	wrdreg $0xA  }
0xb7: {  	_ =	task.clear_ibuf [dreg:s7], $0x5FFFF;
	_ =	strace $0x90000046  }
0xb8: {  	s29 =	simm.s32 $0xA;
	_ =	strace $0x80000048  }
0xb9: {  	_ =	swait.ge [sflag:s29], $0x1  }
0xba: {  	[sflag:s29] =	ssyncadd.s32 $0xFFFFFFFF  }
0xbb: {  	_ =	strace $0x90000048  }
0xbc: {  	_ =	sfence  }
0xbd: {  	s30 =	sld [smem:$0x0];
	_ =	sdelay $0x2  }
0xbe: {  	s31 =	sshll.u32 s1, $0xD;
	s1 =	sshrl.u32 s1, $0x2  }
0xbf: {  	s3 =	sand.u32 $0x4000, s31;
	s1 =	sadd.s32 s1, s30  }
0xc0: {  	s0 =	sor.u32 s3, s0;
	s1 =	sshll.u32 s1, $0x11  }
0xc1: {  	s0 =	sor.u32 s1, s0  }
0xc2: {  	s0 =	sadd.s32 $0x8F2B, s0  }
0xc3: {  	[sflag:s0] =	ssyncadd.remote.s32 $0x1  }
0xc4: {  	_ =	sfence.sel $0xFFFF  }
0xc5: {  	[dreg:$0x0] =	wrdreg $0xFFFFFFFF;
	(pc) =	sbr.abs _section_cstart, $3  }
0xc6: {  	[dreg:$0x1] =	wrdreg $0xFFFFFFFF  }
0xc7: {  	_ =	task.clear_ibuf [dreg:s7], $0x2FFFF;
	_ =	strace $0x9FFFFFFF  }
0xc8: {  	(tm) =	ssettm $0x7FFFFFFF  }
0xc9: {  	_ =	shalt  }
tec
execute0_lowered:
.L_overlay_start_1:
0x0: {  	(tag) =	ssettag $0x1  }
0x1: {  	s4 =	rddreg [dreg:$0x0]  }
0x2: {  	s5 =	rddreg [dreg:$0x1]  }
0x3: {  	s0 =	rddreg [dreg:$0x2]  }
0x4: {  	s2 =	simm.s32 $0x0;
	s1 =	stileid.u32;
	s7 =	srdreg.scid  }
0x5: {  	s11 =	simm.s32 $0x1;
	s12 =	simm.s32 $0x2;
	s13 =	simm.s32 $0x3  }
0x6: {  	s14 =	simm.s32 $0x4;
	s15 =	simm.s32 $0x0;
	[smem:$0x7FF] =	sst s2  }
0x7: {  	s6 =	sshll.u32 s1, $0x11;
	s3 =	sadd.s32 $0x4E00, s4;
	s31 =	sand.u32 $0x1, s7  }
0x8: {  	s8 =	sshll.u32 s1, $0xD;
	_ =	strace $0x80000047;
	s4 =	sadd.s32 s6, s4  }
0x9: {  	s7 =	ssub.s32 $0x2, s31;
	s9 =	sshll.u32 s31, $0xC;
	s6 =	sshll.u32 s31, $0x10  }
0xa: {  	s10 =	sshrl.u32 s7, $0x1;
	s8 =	sor.u32 s9, s8;
	s6 =	sadd.s32 s6, s4  }
0xb: {  	s9 =	simm.s32 $0x1000;
	s7 =	ssub.s32 s7, s10;
	s8 =	sshrl.u32 s8, $0x3  }
0xc: {  	s6 =	sadd.s32 $0x45600, s6;
	s10 =	simm.s32 $0x5000;
	s4 =	sadd.s32 s5, s8  }
0xd: {  	s5 =	smax.u32 s7, $0x1;
	s7 =	simm.s32 $0x5;
	s8 =	simm.s32 $0x80  }
.LBB2_1:
0xe: {  	[tilespmem:s2], [sflag:$0x5] =	stream.linear.gather [hbm4b:s4+s2], $0x1000, $0x38;
	[tilespmem:$0x9000] =	vst v63  }
0xf: {  	_ =	swait.ge [sflag:s7], $0x1000  }
0x10: {  	[sflag:s7] =	ssyncset.done $0x0  }
0x11: {  	s16 =	simm.s32 $0x0;
	[sflag:s7] =	ssyncadd.s32 $0xFFFFF000  }
0x12: {  	[tilespmem:s9], [sflag:$0x1] =	stream.indirect.gather [hbm4b:s3+s8], $0x80, s16, s8, $0xb8;
	[tilespmem:$0x9000] =	vst v63  }
0x13: {  	s30 =	simm.s32 $0x80  }
0x14: {  	[tilespmem:s10], [sflag:$0x2] =	stream.indirect.gather [hbm4b:s3+s8], $0x80, s30, s8, $0xb8;
	[tilespmem:$0x9000] =	vst v63  }
0x15: {  	_ =	swait.ge [sflag:s11], $0x4000  }
0x16: {  	[sflag:s11] =	ssyncset.done $0x0  }
0x17: {  	s31 =	sadd.s32 $0xFFFFF800, s6;
	[sflag:s11] =	ssyncadd.s32 $0xFFFFC000  }
0x18: {  	[hbm4b:s31+s2] =	stream.linear.scatter [tilespmem:s9], [sflag:$0x3], $0x4000, $0x38;
	[tilespmem:$0x9000] =	vst v63  }
0x19: {  	_ =	swait.ge [sflag:s12], $0x4000  }
0x1a: {  	[sflag:s12] =	ssyncset.done $0x0  }
0x1b: {  	[sflag:s12] =	ssyncadd.s32 $0xFFFFC000  }
0x1c: {  	[hbm4b:s6+s2] =	stream.linear.scatter [tilespmem:s10], [sflag:$0x4], $0x4000, $0x38;
	[tilespmem:$0x9000] =	vst v63  }
0x1d: {  	_ =	swait.ge [sflag:s13], $0x4000  }
0x1e: {  	[sflag:s13] =	ssyncset.done $0x0  }
0x1f: {  	[sflag:s13] =	ssyncadd.s32 $0xFFFFC000  }
0x20: {  	s17 =	simm.s32 $0x400;
	_ =	swait.ge [sflag:s14], $0x4000  }
0x21: {  	s18 =	simm.s32 $0x800;
	s16 =	sadd.s32 $0x1000, s6;
	[sflag:s14] =	ssyncset.done $0x0  }
.LBB2_2:
0x22: {  	s19 =	sshra.s32 s17, $0x2  }
0x23: {  	[sflag:s14] =	ssyncadd.s32 $0xFFFFC000;
	s17 =	smov.u32 s18;
	s20 =	sadd.s32 $0x400, s18  }
0x24: {  	[tilespmem:s9], [sflag:$0x1] =	stream.indirect.gather [hbm4b:s3+s8], $0x80, s19, s8, $0xb8;
	[tilespmem:$0x9000] =	vst v63  }
0x25: {  	p0 =	sne.s32 s18, $0x3C00;
	s18 =	sadd.s32 $0x80, s19  }
0x26: {  	[tilespmem:s10], [sflag:$0x2] =	stream.indirect.gather [hbm4b:s3+s8], $0x80, s18, s8, $0xb8;
	[tilespmem:$0x9000] =	vst v63  }
0x27: {  	_ =	swait.ge [sflag:s11], $0x4000  }
0x28: {  	[sflag:s11] =	ssyncset.done $0x0  }
0x29: {  	s18 =	sadd.s32 $0xFFFFF800, s16;
	[sflag:s11] =	ssyncadd.s32 $0xFFFFC000  }
0x2a: {  	[hbm4b:s18+s2] =	stream.linear.scatter [tilespmem:s9], [sflag:$0x3], $0x4000, $0x38;
	[tilespmem:$0x9000] =	vst v63  }
0x2b: {  	_ =	swait.ge [sflag:s12], $0x4000  }
0x2c: {  	[sflag:s12] =	ssyncset.done $0x0  }
0x2d: {  	[sflag:s12] =	ssyncadd.s32 $0xFFFFC000  }
0x2e: {  	[hbm4b:s16+s2] =	stream.linear.scatter [tilespmem:s10], [sflag:$0x4], $0x4000, $0x38;
	[tilespmem:$0x9000] =	vst v63  }
.Ltmp0:
0x2f: {  	_ =	swait.ge [sflag:s13], $0x4000;
	(pc) =	sbr.rel @p0 .LBB2_2-.Ltmp0, $4  }
0x30: {  	[sflag:s13] =	ssyncset.done $0x0  }
0x31: {  	[sflag:s13] =	ssyncadd.s32 $0xFFFFC000  }
0x32: {  	_ =	swait.ge [sflag:s14], $0x4000  }
0x33: {  	s18 =	smov.u32 s20;
	s16 =	sadd.s32 $0x1000, s16;
	[sflag:s14] =	ssyncset.done $0x0  }
0x34: {  	s17 =	sshra.s32 s17, $0x2;
	[sflag:s14] =	ssyncadd.s32 $0xFFFFC000  }
0x35: {  	[tilespmem:s9], [sflag:$0x1] =	stream.indirect.gather [hbm4b:s3+s8], $0x80, s17, s8, $0xb8;
	[tilespmem:$0x9000] =	vst v63  }
0x36: {  	s17 =	sadd.s32 $0x80, s17  }
0x37: {  	[tilespmem:s10], [sflag:$0x2] =	stream.indirect.gather [hbm4b:s3+s8], $0x80, s17, s8, $0xb8;
	[tilespmem:$0x9000] =	vst v63  }
0x38: {  	_ =	swait.ge [sflag:s11], $0x4000  }
0x39: {  	[sflag:s11] =	ssyncset.done $0x0  }
0x3a: {  	s31 =	sadd.s32 $0xFFFFF800, s16;
	[sflag:s11] =	ssyncadd.s32 $0xFFFFC000  }
0x3b: {  	[hbm4b:s31+s2] =	stream.linear.scatter [tilespmem:s9], [sflag:$0x3], $0x4000, $0x38;
	[tilespmem:$0x9000] =	vst v63  }
0x3c: {  	_ =	swait.ge [sflag:s12], $0x4000  }
0x3d: {  	[sflag:s12] =	ssyncset.done $0x0  }
0x3e: {  	s15 =	sadd.s32 $0x1, s15;
	[sflag:s12] =	ssyncadd.s32 $0xFFFFC000  }
0x3f: {  	[hbm4b:s16+s2] =	stream.linear.scatter [tilespmem:s10], [sflag:$0x4], $0x4000, $0x38;
	[tilespmem:$0x9000] =	vst v63  }
0x40: {  	p0 =	sne.s32 s15, s5;
	_ =	swait.ge [sflag:s13], $0x4000  }
.Ltmp1:
0x41: {  	[sflag:s13] =	ssyncset.done $0x0;
	(pc) =	sbr.rel @p0 .LBB2_1-.Ltmp1, $4  }
0x42: {  	[sflag:s13] =	ssyncadd.s32 $0xFFFFC000  }
0x43: {  	_ =	swait.ge [sflag:s14], $0x4000  }
0x44: {  	[sflag:s14] =	ssyncset.done $0x0  }
0x45: {  	[sflag:s14] =	ssyncadd.s32 $0xFFFFC000  }
0x46: {  	_ =	sfence.sel $0x180000  }
0x47: {  	[bflag:$0x0] =	sbarrier.arrive $0xFFFF  }
0x48: {  	p0 =	sne.s32 s1, $0x0;
	_ =	strace $0x90000047  }
0x49: {  	s0 =	sadd.s32 @!p0 $0x100000, s0;
	[bflag:$0x2] =	sbarrier.arrive $0xFFFF  }
0x4a: {  	[sflag:s0] =	ssyncadd.tile.s32 @!p0 $0x1;
	_ =	shalt  }
.Lfunc_end2:
_tile_overlayer_lowered:
.L_overlay_start_2:
0x4b: {  	(tag) =	ssettag $0x2  }
0x4c: {  	s0 =	rddreg [dreg:$0x0];
	s2 =	stileid.u32  }
0x4d: {  	s1 =	rddreg [dreg:$0x1];
	p0 =	sne.s32 s2, $0x0  }
0x4e: {  	s3 =	rddreg [dreg:$0x2];
	[bflag:$0x3] =	sbarrier.arrive $0xFFFF;
	s2 =	simm.s32 @!p0 $0x1C05  }
0x4f: {  	[timem:s3], [sflag:s2] =	dma.local @!p0 [hbm:s0], s1  }
0x50: {  	s0 =	simm.s32 @!p0 $0x5  }
0x51: {  	_ =	swait.ge @!p0 [sflag:s0], s1  }
0x52: {  	s1 =	ssub.s32 @!p0 $0x0, s1;
	[sflag:s0] =	ssyncset.done @!p0 $0x0  }
0x53: {  	[sflag:s0] =	ssyncadd.s32 @!p0 s1  }
0x54: {  	[bflag:$0x3] =	sbarrier.arrive $0xFFFF  }
0x55: {  	_ =	shalt  }

// kernel: kernel.15.cloned.1.call-start
scs
__scs_entry_jumppad:
0x0: {  	(pc) =	sbr.rel $0x88, $3  }
0x1: {  	(tag) =	ssettag $0x0;
	lr =	simm.s32 $0x1  }
0x2: {  	[smem:$0x3F93] =	sst lr;
	_ =	strace $0xD0000000  }
0x3: {  	_ = 	snop  }
0x4: {  	_ = 	snop  }
0x5: {  	_ = 	snop  }
0x6: {  	_ = 	snop  }
0x7: {  	_ = 	snop  }
__scs_overlays_trampoline_lowered:
0x8: {  	[smem:$0x3FA2] =	sst s0  }
0x9: {  	[smem:$0x3FA3] =	sst s1  }
0xa: {  	[smem:$0x3FA4] =	sst s2  }
0xb: {  	[smem:$0x3FA5] =	sst s3  }
0xc: {  	[smem:$0x3FA6] =	sst s4  }
0xd: {  	[smem:$0x3FA7] =	sst s5  }
0xe: {  	[smem:$0x3FA8] =	sst s6  }
0xf: {  	[smem:$0x3FA9] =	sst s7  }
0x10: {  	[smem:$0x3FAA] =	sst s8  }
0x11: {  	[smem:$0x3FAB] =	sst s9;
	s0 =	simm.s32 @!p0 $0x0  }
0x12: {  	s1 =	sld [smem:$0x3F91];
	s0 =	simm.s32 @p0 $0x1  }
0x13: {  	[smem:$0x3FAC] =	sst s0;
	s0 =	simm.s32 @!p1 $0x0  }
0x14: {  	s2 =	sld [smem:$0x3F90];
	s0 =	simm.s32 @p1 $0x1  }
0x15: {  	[smem:$0x3FAD] =	sst s0;
	s0 =	simm.s32 @!p2 $0x0  }
0x16: {  	s3 =	sld [smem:$0x3FDB];
	s0 =	simm.s32 @p2 $0x1  }
0x17: {  	s4 =	simm.s32 $0x1BF5;
	[smem:$0x3FAF] =	sst s0  }
0x18: {  	s0 =	sld [smem:$0x3F92];
	_ =	swait.ge [sflag:s4], $0x0  }
0x19: {  	s7 =	sld [smem:$0x3F93]  }
0x1a: {  	s8 =	sadd.s32 $0xFFFFE003, lr  }
0x1b: {  	s9 =	sadd.s32 $0xFFFFFEF7, lr;
	s5 =	simm.s32 $0xFFFFFFFF;
	p2 =	slt.u32 s8, $0xFFFFF086  }
0x1c: {  	p1 =	slt.u32 s9, $0xF7A;
	s5 =	simm.s32 @!p2 $0x0  }
0x1d: {  	s5 =	simm.s32 @p1 $0x1;
	p0 =	seq.s32 s7, s2  }
0x1e: {  	s7 =	smul.u32 @!p0 $0xF7A, s2;
	p2 =	seq.s32 @!p0 s5, $0x0  }
0x1f: {  	s9 =	smul.u32 $0xF7A, s1;
	s8 =	simm.s32 @!p0 $0x1BF5;
	p2 =	por !p2, p0  }
0x20: {  	[sflag:s8] =	ssyncset.s32 @!p0 $0xFFFFF086;
	s6 =	sadd.s32 @!p0 s3, s7;
	s7 =	simm.s32 @!p0 $0x108  }
0x21: {  	s3 =	sadd.s32 s3, s9;
	s6 =	sadd.s32 @!p0 $0x88, s6;
	s7 =	simm.s32 @p2 $0x1082  }
0x22: {  	[simem:s7], [sflag:s8] =	dma.local @!p0 [hbm:s6], $0xF7A  }
0x23: {  	s9 =	sor.u32 $0xD0000000, s2;
	s6 =	simm.s32 $0x108;
	_ =	swait.ge @!p0 [sflag:s8], $0x0  }
0x24: {  	s3 =	sadd.s32 $0x88, s3;
	s6 =	simm.s32 @!p1 $0x1082;
	[sflag:s4] =	ssyncset.s32 $0xFFFFF086  }
0x25: {  	[simem:s6], [sflag:s4] =	dma.local [hbm:s3], $0xF7A  }
0x26: {  	[smem:$0x3F93] =	sst s1;
	(tag) =	ssettag s2;
	_ =	strace s9  }
0x27: {  	s1 =	sld [smem:$0x3FA3]  }
0x28: {  	s2 =	sld [smem:$0x3FA4]  }
0x29: {  	s4 =	sld [smem:$0x3FA6]  }
0x2a: {  	p0 =	seq.s32 s5, $0x0;
	s5 =	sld [smem:$0x3FA7]  }
0x2b: {  	s6 =	sld [smem:$0x3FA8]  }
0x2c: {  	s7 =	sld [smem:$0x3FA9]  }
0x2d: {  	s3 =	simm.s32 $0x108;
	s8 =	sld [smem:$0x3FAA]  }
0x2e: {  	s3 =	simm.s32 @!p0 $0x1082;
	s9 =	sld [smem:$0x3FAB]  }
0x2f: {  	lr =	sadd.s32 s0, s3;
	s0 =	sld [smem:$0x3FA2]  }
0x30: {  	s3 =	sld [smem:$0x3FA5]  }
0x31: {  	[smem:$0x3FAE] =	sst s10  }
0x32: {  	s10 =	sld [smem:$0x3FAC];
	_ =	sdelay $0x3  }
0x33: {  	p0 =	seq.s32 s10, $0x1;
	s10 =	sld [smem:$0x3FAE];
	_ =	sdelay $0x3  }
0x34: {  	[smem:$0x3FAE] =	sst s10  }
0x35: {  	s10 =	sld [smem:$0x3FAD];
	_ =	sdelay $0x3  }
0x36: {  	p1 =	seq.s32 s10, $0x1;
	s10 =	sld [smem:$0x3FAE];
	_ =	sdelay $0x3  }
0x37: {  	[smem:$0x3FAE] =	sst s10  }
0x38: {  	s10 =	sld [smem:$0x3FAF]  }
0x39: {  	_ = 	snop;
	(pc) =	sbr.ind lr, $3  }
0x3a: {  	_ = 	snop  }
0x3b: {  	_ = 	snop  }
0x3c: {  	p2 =	seq.s32 s10, $0x1;
	s10 =	sld [smem:$0x3FAE]  }
0x3d: {  	_ =	shalt  }
0x3e: {  	_ =	shalt  }
0x3f: {  	_ =	shalt  }
0x40: {  	_ =	shalt  }
0x41: {  	_ =	shalt  }
0x42: {  	_ =	shalt  }
0x43: {  	_ =	shalt  }
0x44: {  	_ =	shalt  }
0x45: {  	_ =	shalt  }
0x46: {  	_ =	shalt  }
0x47: {  	_ =	shalt  }
0x48: {  	_ =	shalt  }
0x49: {  	_ =	shalt  }
0x4a: {  	_ =	shalt  }
0x4b: {  	_ =	shalt  }
0x4c: {  	_ =	shalt  }
0x4d: {  	_ =	shalt  }
0x4e: {  	_ =	shalt  }
0x4f: {  	_ =	shalt  }
0x50: {  	_ =	shalt  }
0x51: {  	_ =	shalt  }
0x52: {  	_ =	shalt  }
0x53: {  	_ =	shalt  }
0x54: {  	_ =	shalt  }
0x55: {  	_ =	shalt  }
0x56: {  	_ =	shalt  }
0x57: {  	_ =	shalt  }
0x58: {  	_ =	shalt  }
0x59: {  	_ =	shalt  }
0x5a: {  	_ =	shalt  }
0x5b: {  	_ =	shalt  }
0x5c: {  	_ =	shalt  }
0x5d: {  	_ =	shalt  }
0x5e: {  	_ =	shalt  }
0x5f: {  	_ =	shalt  }
0x60: {  	_ =	shalt  }
0x61: {  	_ =	shalt  }
0x62: {  	_ =	shalt  }
0x63: {  	_ =	shalt  }
0x64: {  	_ =	shalt  }
0x65: {  	_ =	shalt  }
0x66: {  	_ =	shalt  }
0x67: {  	_ =	shalt  }
0x68: {  	_ =	shalt  }
0x69: {  	_ =	shalt  }
0x6a: {  	_ =	shalt  }
0x6b: {  	_ =	shalt  }
0x6c: {  	_ =	shalt  }
0x6d: {  	_ =	shalt  }
0x6e: {  	_ =	shalt  }
0x6f: {  	_ =	shalt  }
0x70: {  	_ =	shalt  }
0x71: {  	_ =	shalt  }
0x72: {  	_ =	shalt  }
0x73: {  	_ =	shalt  }
0x74: {  	_ =	shalt  }
0x75: {  	_ =	shalt  }
0x76: {  	_ =	shalt  }
0x77: {  	_ =	shalt  }
0x78: {  	_ =	shalt  }
0x79: {  	_ =	shalt  }
0x7a: {  	_ =	shalt  }
0x7b: {  	_ =	shalt  }
0x7c: {  	_ =	shalt  }
0x7d: {  	_ =	shalt  }
0x7e: {  	_ =	shalt  }
0x7f: {  	_ =	shalt  }
0x80: {  	_ =	shalt  }
0x81: {  	_ =	shalt  }
0x82: {  	_ =	shalt  }
0x83: {  	_ =	shalt  }
0x84: {  	_ =	shalt  }
0x85: {  	_ =	shalt  }
0x86: {  	_ =	shalt  }
0x87: {  	_ =	shalt  }
.Lfunc_end0:
.L_simem_size_0:
called_computation.1_lowered:
.L_overlay_start_0:
0x88: {  	s2 =	sld [smem:$0x3FD9]  }
0x89: {  	s3 =	sld [smem:$0x3FFE];
	_ =	sdelay $0x1  }
0x8a: {  	s1 =	srdreg.scid  }
0x8b: {  	s0 =	sand.u32 $0x1, s1  }
0x8c: {  	s17 =	sshll.u32 s0, $0xA;
	s2 =	sadd.s32 s3, s2  }
0x8d: {  	s2 =	sadd.s32 s2, s17  }
0x8e: {  	[smem:$0x3FBA] =	sst s2  }
0x8f: {  	_ = 	snop  }
0x90: {  	(tm) =	ssettm $0x1  }
0x91: {  	s18 =	sld [smem:$0x3FFB];
	_ =	sdelay $0x3  }
0x92: {  	_ =	strace s18  }
0x93: {  	s2 =	sld [smem:$0x3FFC];
	_ =	sdelay $0x3  }
0x94: {  	_ =	strace s2  }
0x95: {  	s2 =	sld [smem:$0x3FFD];
	_ =	sdelay $0x3  }
0x96: {  	_ =	strace s2  }
0x97: {  	_ =	strace $0x8FFFFFFF  }
0x98: {  	s19 =	sld [smem:$0x3FDB];
	_ =	sdelay $0x1  }
0x99: {  	s20 =	simm.s32 $_scs_section_size  }
0x9a: {  	s4 =	simm.s32 $_size__tile_overlayer_lowered;
	s5 =	simm.s32 $_tile_overlayer_lowered  }
0x9b: {  	s6 =	simm.s32 $0x1BFF;
	s21 =	sshll.u32 s5, $0x1;
	s3 =	sadd.s32 s20, s19  }
0x9c: {  	s22 =	simm.s32 $0x0;
	s4 =	sshll.u32 s4, $0x1;
	s5 =	sadd.s32 s21, s3  }
0x9d: {  	[timem:s22], [sflag:s6] =	dma.local [hbm:s5], s4  }
0x9e: {  	_ =	swait.ge [sflag:s6], s4  }
0x9f: {  	s4 =	ssub.s32 $0x0, s4;
	[sflag:s6] =	ssyncset.done $0x0  }
0xa0: {  	[sflag:s6] =	ssyncadd.s32 s4;
	_ =	sdelay $0x1  }
0xa1: {  	s23 =	simm.s32 $0x1B8B  }
0xa2: {  	_ =	swait.ge [sflag:s23], $0x1  }
0xa3: {  	[sflag:s23] =	ssyncset.done $0x0  }
0xa4: {  	[sflag:s23] =	ssyncadd.s32 $0xFFFFFFFF  }
0xa5: {  	s4 =	sld [smem:$0x0]  }
0xa6: {  	s5 =	sand.u32 $0xFFFFFFFE, s1  }
0xa7: {  	p0 =	sne.s32 s1, s5  }
0xa8: {  	s5 =	sshll.u32 @p0 s5, $0xE  }
0xa9: {  	s5 =	sadd.s32 @p0 $0x11B8D, s5;
	s6 =	sshll.u32 @p0 s4, $0x11  }
0xaa: {  	s5 =	sor.u32 @p0 s6, s5  }
0xab: {  	[sflag:s5] =	ssyncadd.remote.s32 @p0 $0x1;
	_ =	sdelay $0x1  }
0xac: {  	s5 =	simm.s32 @p0 $0x1B8D  }
0xad: {  	_ =	swait.eq @p0 [sflag:s5], $0x1  }
0xae: {  	[sflag:s5] =	ssyncadd.s32 @p0 $0xFFFFFFFF  }
0xaf: {  	s6 =	sshll.u32 @!p0 s1, $0xE  }
0xb0: {  	s6 =	sor.u32 @!p0 $0x4000, s6;
	s5 =	simm.s32 @!p0 $0x1B8D  }
0xb1: {  	s4 =	sshll.u32 @!p0 s4, $0x11;
	s6 =	sadd.s32 @!p0 $0x11B8D, s6;
	_ =	swait.eq @!p0 [sflag:s5], $0x1  }
0xb2: {  	s4 =	sor.u32 @!p0 s4, s6;
	[sflag:s5] =	ssyncadd.s32 @!p0 $0xFFFFFFFF  }
0xb3: {  	s25 =	simm.s32 $0x1B8E;
	s24 =	sld [smem:$0x3FFE];
	[sflag:s4] =	ssyncadd.remote.s32 @!p0 $0x1  }
0xb4: {  	s26 =	simm.s32 $execute0_lowered;
	[smem:$0x3FD2] =	sst s25  }
0xb5: {  	s5 =	sshll.u32 s26, $0x1;
	_ =	strace $0x80000049;
	[dreg:$0x1] =	wrdreg $0xFFFFFFFF  }
0xb6: {  	s28 =	simm.s32 $_size_execute0_lowered;
	s3 =	sadd.s32 s3, s5;
	[dreg:$0x0] =	wrdreg $0x0  }
0xb7: {  	s5 =	sshll.u32 s28, $0x1;
	[dreg:$0x2] =	wrdreg s3  }
0xb8: {  	[dreg:$0x3] =	wrdreg s5  }
0xb9: {  	[dreg:$0x4] =	wrdreg $0xC0  }
0xba: {  	_ =	task [dreg:s22], $0x5FFFF  }
0xbb: {  	[dreg:$0x1] =	wrdreg $0xFFFFFFFF  }
0xbc: {  	[dreg:$0x0] =	wrdreg $0x60  }
0xbd: {  	[dreg:$0x2] =	wrdreg s24  }
0xbe: {  	[dreg:$0x3] =	wrdreg $0x9  }
0xbf: {  	_ =	task.clear_ibuf [dreg:s22], $0x4FFFF;
	_ =	strace $0x90000049  }
0xc0: {  	s29 =	simm.s32 $0x9;
	_ =	strace $0x8000004B  }
0xc1: {  	_ =	swait.ge [sflag:s29], $0x1  }
0xc2: {  	[sflag:s29] =	ssyncadd.s32 $0xFFFFFFFF  }
0xc3: {  	_ =	strace $0x9000004B  }
0xc4: {  	_ =	sfence  }
0xc5: {  	s30 =	sld [smem:$0x0];
	_ =	sdelay $0x2  }
0xc6: {  	s31 =	sshll.u32 s1, $0xD;
	s1 =	sshrl.u32 s1, $0x2  }
0xc7: {  	s4 =	sand.u32 $0x4000, s31;
	s1 =	sadd.s32 s1, s30  }
0xc8: {  	s0 =	sor.u32 s4, s0;
	s1 =	sshll.u32 s1, $0x11  }
0xc9: {  	s0 =	sor.u32 s1, s0  }
0xca: {  	s0 =	sadd.s32 $0x8F2B, s0  }
0xcb: {  	[sflag:s0] =	ssyncadd.remote.s32 $0x1  }
0xcc: {  	_ =	sfence.sel $0xFFFF  }
0xcd: {  	[dreg:$0x0] =	wrdreg $0xFFFFFFFF;
	(pc) =	sbr.abs _section_cstart, $3  }
0xce: {  	[dreg:$0x1] =	wrdreg $0xFFFFFFFF  }
0xcf: {  	_ =	task.clear_ibuf [dreg:s22], $0x2FFFF;
	_ =	strace $0x9FFFFFFF  }
0xd0: {  	(tm) =	ssettm $0x7FFFFFFF  }
0xd1: {  	_ =	shalt  }
tec
execute0_lowered:
.L_overlay_start_1:
0x0: {  	(tag) =	ssettag $0x1  }
0x1: {  	s4 =	rddreg [dreg:$0x0]  }
0x2: {  	s0 =	rddreg [dreg:$0x1];
	s3 =	srdreg.scid  }
0x3: {  	s2 =	simm.s32 $0x0;
	s1 =	stileid.u32;
	s10 =	simm.s32 $0x5000  }
0x4: {  	s11 =	simm.s32 $0x1;
	s12 =	simm.s32 $0x2;
	s13 =	simm.s32 $0x3  }
0x5: {  	s14 =	simm.s32 $0x4;
	s15 =	simm.s32 $0x0;
	s5 =	sand.u32 $0x1, s3  }
0x6: {  	[smem:$0x7FF] =	sst s2;
	s6 =	sshll.u32 s1, $0xD;
	s3 =	sadd.s32 $0x4E00, s4  }
0x7: {  	s30 =	sshll.u32 s1, $0x11;
	s7 =	sshll.u32 s5, $0xC;
	_ =	strace $0x8000004A  }
0x8: {  	s8 =	ssub.s32 $0x2, s5;
	s5 =	sshll.u32 s5, $0x10;
	s6 =	sor.u32 s7, s6  }
0x9: {  	s7 =	sadd.s32 s30, s4;
	s9 =	sshrl.u32 s8, $0x1;
	s6 =	sshrl.u32 s6, $0x3  }
0xa: {  	s31 =	ssub.s32 s8, s9;
	s7 =	sadd.s32 s5, s7;
	s8 =	simm.s32 $0x80  }
0xb: {  	s9 =	simm.s32 $0x1000;
	s4 =	sadd.s32 s6, s4;
	s5 =	smax.u32 s31, $0x1  }
0xc: {  	s6 =	sadd.s32 $0x249600, s7;
	s7 =	simm.s32 $0x5;
	s4 =	sadd.s32 $0x244E00, s4  }
.LBB2_1:
0xd: {  	[tilespmem:s2], [sflag:$0x5] =	stream.linear.gather [hbm4b:s4+s2], $0x1000, $0x38;
	[tilespmem:$0x9000] =	vst v63  }
0xe: {  	_ =	swait.ge [sflag:s7], $0x1000  }
0xf: {  	[sflag:s7] =	ssyncset.done $0x0  }
0x10: {  	s16 =	simm.s32 $0x0;
	[sflag:s7] =	ssyncadd.s32 $0xFFFFF000  }
0x11: {  	[tilespmem:s9], [sflag:$0x1] =	stream.indirect.gather [hbm4b:s3+s8], $0x80, s16, s8, $0xb8;
	[tilespmem:$0x9000] =	vst v63  }
0x12: {  	s30 =	simm.s32 $0x80  }
0x13: {  	[tilespmem:s10], [sflag:$0x2] =	stream.indirect.gather [hbm4b:s3+s8], $0x80, s30, s8, $0xb8;
	[tilespmem:$0x9000] =	vst v63  }
0x14: {  	_ =	swait.ge [sflag:s11], $0x4000  }
0x15: {  	[sflag:s11] =	ssyncset.done $0x0  }
0x16: {  	s31 =	sadd.s32 $0xFFFFF800, s6;
	[sflag:s11] =	ssyncadd.s32 $0xFFFFC000  }
0x17: {  	[hbm4b:s31+s2] =	stream.linear.scatter [tilespmem:s9], [sflag:$0x3], $0x4000, $0x38;
	[tilespmem:$0x9000] =	vst v63  }
0x18: {  	_ =	swait.ge [sflag:s12], $0x4000  }
0x19: {  	[sflag:s12] =	ssyncset.done $0x0  }
0x1a: {  	[sflag:s12] =	ssyncadd.s32 $0xFFFFC000  }
0x1b: {  	[hbm4b:s6+s2] =	stream.linear.scatter [tilespmem:s10], [sflag:$0x4], $0x4000, $0x38;
	[tilespmem:$0x9000] =	vst v63  }
0x1c: {  	_ =	swait.ge [sflag:s13], $0x4000  }
0x1d: {  	[sflag:s13] =	ssyncset.done $0x0  }
0x1e: {  	[sflag:s13] =	ssyncadd.s32 $0xFFFFC000  }
0x1f: {  	s17 =	simm.s32 $0x400;
	_ =	swait.ge [sflag:s14], $0x4000  }
0x20: {  	s18 =	simm.s32 $0x800;
	s16 =	sadd.s32 $0x1000, s6;
	[sflag:s14] =	ssyncset.done $0x0  }
.LBB2_2:
0x21: {  	s19 =	sshra.s32 s17, $0x2  }
0x22: {  	[sflag:s14] =	ssyncadd.s32 $0xFFFFC000;
	s17 =	smov.u32 s18;
	s20 =	sadd.s32 $0x400, s18  }
0x23: {  	[tilespmem:s9], [sflag:$0x1] =	stream.indirect.gather [hbm4b:s3+s8], $0x80, s19, s8, $0xb8;
	[tilespmem:$0x9000] =	vst v63  }
0x24: {  	p0 =	sne.s32 s18, $0x3C00;
	s18 =	sadd.s32 $0x80, s19  }
0x25: {  	[tilespmem:s10], [sflag:$0x2] =	stream.indirect.gather [hbm4b:s3+s8], $0x80, s18, s8, $0xb8;
	[tilespmem:$0x9000] =	vst v63  }
0x26: {  	_ =	swait.ge [sflag:s11], $0x4000  }
0x27: {  	[sflag:s11] =	ssyncset.done $0x0  }
0x28: {  	s18 =	sadd.s32 $0xFFFFF800, s16;
	[sflag:s11] =	ssyncadd.s32 $0xFFFFC000  }
0x29: {  	[hbm4b:s18+s2] =	stream.linear.scatter [tilespmem:s9], [sflag:$0x3], $0x4000, $0x38;
	[tilespmem:$0x9000] =	vst v63  }
0x2a: {  	_ =	swait.ge [sflag:s12], $0x4000  }
0x2b: {  	[sflag:s12] =	ssyncset.done $0x0  }
0x2c: {  	[sflag:s12] =	ssyncadd.s32 $0xFFFFC000  }
0x2d: {  	[hbm4b:s16+s2] =	stream.linear.scatter [tilespmem:s10], [sflag:$0x4], $0x4000, $0x38;
	[tilespmem:$0x9000] =	vst v63  }
.Ltmp0:
0x2e: {  	_ =	swait.ge [sflag:s13], $0x4000;
	(pc) =	sbr.rel @p0 .LBB2_2-.Ltmp0, $4  }
0x2f: {  	[sflag:s13] =	ssyncset.done $0x0  }
0x30: {  	[sflag:s13] =	ssyncadd.s32 $0xFFFFC000  }
0x31: {  	_ =	swait.ge [sflag:s14], $0x4000  }
0x32: {  	s18 =	smov.u32 s20;
	s16 =	sadd.s32 $0x1000, s16;
	[sflag:s14] =	ssyncset.done $0x0  }
0x33: {  	s17 =	sshra.s32 s17, $0x2;
	[sflag:s14] =	ssyncadd.s32 $0xFFFFC000  }
0x34: {  	[tilespmem:s9], [sflag:$0x1] =	stream.indirect.gather [hbm4b:s3+s8], $0x80, s17, s8, $0xb8;
	[tilespmem:$0x9000] =	vst v63  }
0x35: {  	s17 =	sadd.s32 $0x80, s17  }
0x36: {  	[tilespmem:s10], [sflag:$0x2] =	stream.indirect.gather [hbm4b:s3+s8], $0x80, s17, s8, $0xb8;
	[tilespmem:$0x9000] =	vst v63  }
0x37: {  	_ =	swait.ge [sflag:s11], $0x4000  }
0x38: {  	[sflag:s11] =	ssyncset.done $0x0  }
0x39: {  	s31 =	sadd.s32 $0xFFFFF800, s16;
	[sflag:s11] =	ssyncadd.s32 $0xFFFFC000  }
0x3a: {  	[hbm4b:s31+s2] =	stream.linear.scatter [tilespmem:s9], [sflag:$0x3], $0x4000, $0x38;
	[tilespmem:$0x9000] =	vst v63  }
0x3b: {  	_ =	swait.ge [sflag:s12], $0x4000  }
0x3c: {  	[sflag:s12] =	ssyncset.done $0x0  }
0x3d: {  	s15 =	sadd.s32 $0x1, s15;
	[sflag:s12] =	ssyncadd.s32 $0xFFFFC000  }
0x3e: {  	[hbm4b:s16+s2] =	stream.linear.scatter [tilespmem:s10], [sflag:$0x4], $0x4000, $0x38;
	[tilespmem:$0x9000] =	vst v63  }
0x3f: {  	p0 =	sne.s32 s15, s5;
	_ =	swait.ge [sflag:s13], $0x4000  }
.Ltmp1:
0x40: {  	[sflag:s13] =	ssyncset.done $0x0;
	(pc) =	sbr.rel @p0 .LBB2_1-.Ltmp1, $4  }
0x41: {  	[sflag:s13] =	ssyncadd.s32 $0xFFFFC000  }
0x42: {  	_ =	swait.ge [sflag:s14], $0x4000  }
0x43: {  	[sflag:s14] =	ssyncset.done $0x0  }
0x44: {  	[sflag:s14] =	ssyncadd.s32 $0xFFFFC000  }
0x45: {  	_ =	sfence.sel $0x180000  }
0x46: {  	[bflag:$0x0] =	sbarrier.arrive $0xFFFF  }
0x47: {  	p0 =	sne.s32 s1, $0x0;
	_ =	strace $0x9000004A  }
0x48: {  	s0 =	sadd.s32 @!p0 $0x100000, s0;
	[bflag:$0x2] =	sbarrier.arrive $0xFFFF  }
0x49: {  	[sflag:s0] =	ssyncadd.tile.s32 @!p0 $0x1;
	_ =	shalt  }
.Lfunc_end2:
_tile_overlayer_lowered:
.L_overlay_start_2:
0x4a: {  	(tag) =	ssettag $0x2  }
0x4b: {  	s0 =	rddreg [dreg:$0x0];
	s2 =	stileid.u32  }
0x4c: {  	s1 =	rddreg [dreg:$0x1];
	p0 =	sne.s32 s2, $0x0  }
0x4d: {  	s3 =	rddreg [dreg:$0x2];
	[bflag:$0x3] =	sbarrier.arrive $0xFFFF;
	s2 =	simm.s32 @!p0 $0x1C05  }
0x4e: {  	[timem:s3], [sflag:s2] =	dma.local @!p0 [hbm:s0], s1  }
0x4f: {  	s0 =	simm.s32 @!p0 $0x5  }
0x50: {  	_ =	swait.ge @!p0 [sflag:s0], s1  }
0x51: {  	s1 =	ssub.s32 @!p0 $0x0, s1;
	[sflag:s0] =	ssyncset.done @!p0 $0x0  }
0x52: {  	[sflag:s0] =	ssyncadd.s32 @!p0 s1  }
0x53: {  	[bflag:$0x3] =	sbarrier.arrive $0xFFFF  }
0x54: {  	_ =	shalt  }

// kernel: kernel.18.cloned.1.call-start
scs
__scs_entry_jumppad:
0x0: {  	(pc) =	sbr.rel $0x88, $3  }
0x1: {  	(tag) =	ssettag $0x0;
	lr =	simm.s32 $0x1  }
0x2: {  	[smem:$0x3F93] =	sst lr;
	_ =	strace $0xD0000000  }
0x3: {  	_ = 	snop  }
0x4: {  	_ = 	snop  }
0x5: {  	_ = 	snop  }
0x6: {  	_ = 	snop  }
0x7: {  	_ = 	snop  }
__scs_overlays_trampoline_lowered:
0x8: {  	[smem:$0x3FA2] =	sst s0  }
0x9: {  	[smem:$0x3FA3] =	sst s1  }
0xa: {  	[smem:$0x3FA4] =	sst s2  }
0xb: {  	[smem:$0x3FA5] =	sst s3  }
0xc: {  	[smem:$0x3FA6] =	sst s4  }
0xd: {  	[smem:$0x3FA7] =	sst s5  }
0xe: {  	[smem:$0x3FA8] =	sst s6  }
0xf: {  	[smem:$0x3FA9] =	sst s7  }
0x10: {  	[smem:$0x3FAA] =	sst s8  }
0x11: {  	[smem:$0x3FAB] =	sst s9;
	s0 =	simm.s32 @!p0 $0x0  }
0x12: {  	s1 =	sld [smem:$0x3F91];
	s0 =	simm.s32 @p0 $0x1  }
0x13: {  	[smem:$0x3FAC] =	sst s0;
	s0 =	simm.s32 @!p1 $0x0  }
0x14: {  	s2 =	sld [smem:$0x3F90];
	s0 =	simm.s32 @p1 $0x1  }
0x15: {  	[smem:$0x3FAD] =	sst s0;
	s0 =	simm.s32 @!p2 $0x0  }
0x16: {  	s3 =	sld [smem:$0x3FDB];
	s0 =	simm.s32 @p2 $0x1  }
0x17: {  	s4 =	simm.s32 $0x1BF5;
	[smem:$0x3FAF] =	sst s0  }
0x18: {  	s0 =	sld [smem:$0x3F92];
	_ =	swait.ge [sflag:s4], $0x0  }
0x19: {  	s7 =	sld [smem:$0x3F93]  }
0x1a: {  	s8 =	sadd.s32 $0xFFFFE003, lr  }
0x1b: {  	s9 =	sadd.s32 $0xFFFFFEF7, lr;
	s5 =	simm.s32 $0xFFFFFFFF;
	p2 =	slt.u32 s8, $0xFFFFF086  }
0x1c: {  	p1 =	slt.u32 s9, $0xF7A;
	s5 =	simm.s32 @!p2 $0x0  }
0x1d: {  	s5 =	simm.s32 @p1 $0x1;
	p0 =	seq.s32 s7, s2  }
0x1e: {  	s7 =	smul.u32 @!p0 $0xF7A, s2;
	p2 =	seq.s32 @!p0 s5, $0x0  }
0x1f: {  	s9 =	smul.u32 $0xF7A, s1;
	s8 =	simm.s32 @!p0 $0x1BF5;
	p2 =	por !p2, p0  }
0x20: {  	[sflag:s8] =	ssyncset.s32 @!p0 $0xFFFFF086;
	s6 =	sadd.s32 @!p0 s3, s7;
	s7 =	simm.s32 @!p0 $0x108  }
0x21: {  	s3 =	sadd.s32 s3, s9;
	s6 =	sadd.s32 @!p0 $0x88, s6;
	s7 =	simm.s32 @p2 $0x1082  }
0x22: {  	[simem:s7], [sflag:s8] =	dma.local @!p0 [hbm:s6], $0xF7A  }
0x23: {  	s9 =	sor.u32 $0xD0000000, s2;
	s6 =	simm.s32 $0x108;
	_ =	swait.ge @!p0 [sflag:s8], $0x0  }
0x24: {  	s3 =	sadd.s32 $0x88, s3;
	s6 =	simm.s32 @!p1 $0x1082;
	[sflag:s4] =	ssyncset.s32 $0xFFFFF086  }
0x25: {  	[simem:s6], [sflag:s4] =	dma.local [hbm:s3], $0xF7A  }
0x26: {  	[smem:$0x3F93] =	sst s1;
	(tag) =	ssettag s2;
	_ =	strace s9  }
0x27: {  	s1 =	sld [smem:$0x3FA3]  }
0x28: {  	s2 =	sld [smem:$0x3FA4]  }
0x29: {  	s4 =	sld [smem:$0x3FA6]  }
0x2a: {  	p0 =	seq.s32 s5, $0x0;
	s5 =	sld [smem:$0x3FA7]  }
0x2b: {  	s6 =	sld [smem:$0x3FA8]  }
0x2c: {  	s7 =	sld [smem:$0x3FA9]  }
0x2d: {  	s3 =	simm.s32 $0x108;
	s8 =	sld [smem:$0x3FAA]  }
0x2e: {  	s3 =	simm.s32 @!p0 $0x1082;
	s9 =	sld [smem:$0x3FAB]  }
0x2f: {  	lr =	sadd.s32 s0, s3;
	s0 =	sld [smem:$0x3FA2]  }
0x30: {  	s3 =	sld [smem:$0x3FA5]  }
0x31: {  	[smem:$0x3FAE] =	sst s10  }
0x32: {  	s10 =	sld [smem:$0x3FAC];
	_ =	sdelay $0x3  }
0x33: {  	p0 =	seq.s32 s10, $0x1;
	s10 =	sld [smem:$0x3FAE];
	_ =	sdelay $0x3  }
0x34: {  	[smem:$0x3FAE] =	sst s10  }
0x35: {  	s10 =	sld [smem:$0x3FAD];
	_ =	sdelay $0x3  }
0x36: {  	p1 =	seq.s32 s10, $0x1;
	s10 =	sld [smem:$0x3FAE];
	_ =	sdelay $0x3  }
0x37: {  	[smem:$0x3FAE] =	sst s10  }
0x38: {  	s10 =	sld [smem:$0x3FAF]  }
0x39: {  	_ = 	snop;
	(pc) =	sbr.ind lr, $3  }
0x3a: {  	_ = 	snop  }
0x3b: {  	_ = 	snop  }
0x3c: {  	p2 =	seq.s32 s10, $0x1;
	s10 =	sld [smem:$0x3FAE]  }
0x3d: {  	_ =	shalt  }
0x3e: {  	_ =	shalt  }
0x3f: {  	_ =	shalt  }
0x40: {  	_ =	shalt  }
0x41: {  	_ =	shalt  }
0x42: {  	_ =	shalt  }
0x43: {  	_ =	shalt  }
0x44: {  	_ =	shalt  }
0x45: {  	_ =	shalt  }
0x46: {  	_ =	shalt  }
0x47: {  	_ =	shalt  }
0x48: {  	_ =	shalt  }
0x49: {  	_ =	shalt  }
0x4a: {  	_ =	shalt  }
0x4b: {  	_ =	shalt  }
0x4c: {  	_ =	shalt  }
0x4d: {  	_ =	shalt  }
0x4e: {  	_ =	shalt  }
0x4f: {  	_ =	shalt  }
0x50: {  	_ =	shalt  }
0x51: {  	_ =	shalt  }
0x52: {  	_ =	shalt  }
0x53: {  	_ =	shalt  }
0x54: {  	_ =	shalt  }
0x55: {  	_ =	shalt  }
0x56: {  	_ =	shalt  }
0x57: {  	_ =	shalt  }
0x58: {  	_ =	shalt  }
0x59: {  	_ =	shalt  }
0x5a: {  	_ =	shalt  }
0x5b: {  	_ =	shalt  }
0x5c: {  	_ =	shalt  }
0x5d: {  	_ =	shalt  }
0x5e: {  	_ =	shalt  }
0x5f: {  	_ =	shalt  }
0x60: {  	_ =	shalt  }
0x61: {  	_ =	shalt  }
0x62: {  	_ =	shalt  }
0x63: {  	_ =	shalt  }
0x64: {  	_ =	shalt  }
0x65: {  	_ =	shalt  }
0x66: {  	_ =	shalt  }
0x67: {  	_ =	shalt  }
0x68: {  	_ =	shalt  }
0x69: {  	_ =	shalt  }
0x6a: {  	_ =	shalt  }
0x6b: {  	_ =	shalt  }
0x6c: {  	_ =	shalt  }
0x6d: {  	_ =	shalt  }
0x6e: {  	_ =	shalt  }
0x6f: {  	_ =	shalt  }
0x70: {  	_ =	shalt  }
0x71: {  	_ =	shalt  }
0x72: {  	_ =	shalt  }
0x73: {  	_ =	shalt  }
0x74: {  	_ =	shalt  }
0x75: {  	_ =	shalt  }
0x76: {  	_ =	shalt  }
0x77: {  	_ =	shalt  }
0x78: {  	_ =	shalt  }
0x79: {  	_ =	shalt  }
0x7a: {  	_ =	shalt  }
0x7b: {  	_ =	shalt  }
0x7c: {  	_ =	shalt  }
0x7d: {  	_ =	shalt  }
0x7e: {  	_ =	shalt  }
0x7f: {  	_ =	shalt  }
0x80: {  	_ =	shalt  }
0x81: {  	_ =	shalt  }
0x82: {  	_ =	shalt  }
0x83: {  	_ =	shalt  }
0x84: {  	_ =	shalt  }
0x85: {  	_ =	shalt  }
0x86: {  	_ =	shalt  }
0x87: {  	_ =	shalt  }
.Lfunc_end0:
.L_simem_size_0:
called_computation.2_lowered:
.L_overlay_start_0:
0x88: {  	s2 =	sld [smem:$0x3FD9]  }
0x89: {  	s3 =	sld [smem:$0x3FFE];
	_ =	sdelay $0x1  }
0x8a: {  	s1 =	srdreg.scid  }
0x8b: {  	s0 =	sand.u32 $0x1, s1  }
0x8c: {  	s17 =	sshll.u32 s0, $0xA;
	s2 =	sadd.s32 s3, s2  }
0x8d: {  	s2 =	sadd.s32 s2, s17  }
0x8e: {  	[smem:$0x3FBA] =	sst s2  }
0x8f: {  	_ = 	snop  }
0x90: {  	(tm) =	ssettm $0x1  }
0x91: {  	s18 =	sld [smem:$0x3FFB];
	_ =	sdelay $0x3  }
0x92: {  	_ =	strace s18  }
0x93: {  	s2 =	sld [smem:$0x3FFC];
	_ =	sdelay $0x3  }
0x94: {  	_ =	strace s2  }
0x95: {  	s2 =	sld [smem:$0x3FFD];
	_ =	sdelay $0x3  }
0x96: {  	_ =	strace s2  }
0x97: {  	_ =	strace $0x8FFFFFFF  }
0x98: {  	s19 =	sld [smem:$0x3FDB];
	_ =	sdelay $0x1  }
0x99: {  	s20 =	simm.s32 $_scs_section_size  }
0x9a: {  	s4 =	simm.s32 $_size__tile_overlayer_lowered;
	s5 =	simm.s32 $_tile_overlayer_lowered  }
0x9b: {  	s6 =	simm.s32 $0x1BFF;
	s21 =	sshll.u32 s5, $0x1;
	s3 =	sadd.s32 s20, s19  }
0x9c: {  	s22 =	simm.s32 $0x0;
	s4 =	sshll.u32 s4, $0x1;
	s5 =	sadd.s32 s21, s3  }
0x9d: {  	[timem:s22], [sflag:s6] =	dma.local [hbm:s5], s4  }
0x9e: {  	_ =	swait.ge [sflag:s6], s4  }
0x9f: {  	s4 =	ssub.s32 $0x0, s4;
	[sflag:s6] =	ssyncset.done $0x0  }
0xa0: {  	[sflag:s6] =	ssyncadd.s32 s4;
	_ =	sdelay $0x1  }
0xa1: {  	s23 =	simm.s32 $0x1B8B  }
0xa2: {  	_ =	swait.ge [sflag:s23], $0x1  }
0xa3: {  	[sflag:s23] =	ssyncset.done $0x0  }
0xa4: {  	[sflag:s23] =	ssyncadd.s32 $0xFFFFFFFF  }
0xa5: {  	s4 =	sld [smem:$0x0]  }
0xa6: {  	s5 =	sand.u32 $0xFFFFFFFE, s1  }
0xa7: {  	p0 =	sne.s32 s1, s5  }
0xa8: {  	s5 =	sshll.u32 @p0 s5, $0xE  }
0xa9: {  	s5 =	sadd.s32 @p0 $0x11B8D, s5;
	s6 =	sshll.u32 @p0 s4, $0x11  }
0xaa: {  	s5 =	sor.u32 @p0 s6, s5  }
0xab: {  	[sflag:s5] =	ssyncadd.remote.s32 @p0 $0x1;
	_ =	sdelay $0x1  }
0xac: {  	s5 =	simm.s32 @p0 $0x1B8D  }
0xad: {  	_ =	swait.eq @p0 [sflag:s5], $0x1  }
0xae: {  	[sflag:s5] =	ssyncadd.s32 @p0 $0xFFFFFFFF  }
0xaf: {  	s6 =	sshll.u32 @!p0 s1, $0xE  }
0xb0: {  	s6 =	sor.u32 @!p0 $0x4000, s6;
	s5 =	simm.s32 @!p0 $0x1B8D  }
0xb1: {  	s4 =	sshll.u32 @!p0 s4, $0x11;
	s6 =	sadd.s32 @!p0 $0x11B8D, s6;
	_ =	swait.eq @!p0 [sflag:s5], $0x1  }
0xb2: {  	s4 =	sor.u32 @!p0 s4, s6;
	[sflag:s5] =	ssyncadd.s32 @!p0 $0xFFFFFFFF  }
0xb3: {  	s25 =	simm.s32 $0x1B8E;
	s24 =	sld [smem:$0x3FFE];
	[sflag:s4] =	ssyncadd.remote.s32 @!p0 $0x1  }
0xb4: {  	s26 =	simm.s32 $execute0_lowered;
	[smem:$0x3FD2] =	sst s25  }
0xb5: {  	s5 =	sshll.u32 s26, $0x1;
	_ =	strace $0x8000004C;
	[dreg:$0x1] =	wrdreg $0xFFFFFFFF  }
0xb6: {  	s28 =	simm.s32 $_size_execute0_lowered;
	s3 =	sadd.s32 s3, s5;
	[dreg:$0x0] =	wrdreg $0x0  }
0xb7: {  	s5 =	sshll.u32 s28, $0x1;
	[dreg:$0x2] =	wrdreg s3  }
0xb8: {  	[dreg:$0x3] =	wrdreg s5  }
0xb9: {  	[dreg:$0x4] =	wrdreg $0xC0  }
0xba: {  	_ =	task [dreg:s22], $0x5FFFF  }
0xbb: {  	[dreg:$0x1] =	wrdreg $0xFFFFFFFF  }
0xbc: {  	[dreg:$0x0] =	wrdreg $0x60  }
0xbd: {  	[dreg:$0x2] =	wrdreg s24  }
0xbe: {  	[dreg:$0x3] =	wrdreg $0xA  }
0xbf: {  	_ =	task.clear_ibuf [dreg:s22], $0x4FFFF;
	_ =	strace $0x9000004C  }
0xc0: {  	s29 =	simm.s32 $0xA;
	_ =	strace $0x8000004E  }
0xc1: {  	_ =	swait.ge [sflag:s29], $0x1  }
0xc2: {  	[sflag:s29] =	ssyncadd.s32 $0xFFFFFFFF  }
0xc3: {  	_ =	strace $0x9000004E  }
0xc4: {  	_ =	sfence  }
0xc5: {  	s30 =	sld [smem:$0x0];
	_ =	sdelay $0x2  }
0xc6: {  	s31 =	sshll.u32 s1, $0xD;
	s1 =	sshrl.u32 s1, $0x2  }
0xc7: {  	s4 =	sand.u32 $0x4000, s31;
	s1 =	sadd.s32 s1, s30  }
0xc8: {  	s0 =	sor.u32 s4, s0;
	s1 =	sshll.u32 s1, $0x11  }
0xc9: {  	s0 =	sor.u32 s1, s0  }
0xca: {  	s0 =	sadd.s32 $0x8F2B, s0  }
0xcb: {  	[sflag:s0] =	ssyncadd.remote.s32 $0x1  }
0xcc: {  	_ =	sfence.sel $0xFFFF  }
0xcd: {  	[dreg:$0x0] =	wrdreg $0xFFFFFFFF;
	(pc) =	sbr.abs _section_cstart, $3  }
0xce: {  	[dreg:$0x1] =	wrdreg $0xFFFFFFFF  }
0xcf: {  	_ =	task.clear_ibuf [dreg:s22], $0x2FFFF;
	_ =	strace $0x9FFFFFFF  }
0xd0: {  	(tm) =	ssettm $0x7FFFFFFF  }
0xd1: {  	_ =	shalt  }
tec
execute0_lowered:
.L_overlay_start_1:
0x0: {  	(tag) =	ssettag $0x1  }
0x1: {  	s4 =	rddreg [dreg:$0x0]  }
0x2: {  	s0 =	rddreg [dreg:$0x1];
	s3 =	srdreg.scid  }
0x3: {  	s2 =	simm.s32 $0x0;
	s1 =	stileid.u32;
	s10 =	simm.s32 $0x5000  }
0x4: {  	s11 =	simm.s32 $0x1;
	s12 =	simm.s32 $0x2;
	s13 =	simm.s32 $0x3  }
0x5: {  	s14 =	simm.s32 $0x4;
	s15 =	simm.s32 $0x0;
	s5 =	sand.u32 $0x1, s3  }
0x6: {  	[smem:$0x7FF] =	sst s2;
	s6 =	sshll.u32 s1, $0xD;
	s3 =	sadd.s32 $0x44E00, s4  }
0x7: {  	s30 =	sshll.u32 s1, $0x11;
	s7 =	sshll.u32 s5, $0xC;
	_ =	strace $0x8000004D  }
0x8: {  	s8 =	ssub.s32 $0x2, s5;
	s5 =	sshll.u32 s5, $0x10;
	s6 =	sor.u32 s7, s6  }
0x9: {  	s7 =	sadd.s32 s30, s4;
	s9 =	sshrl.u32 s8, $0x1;
	s6 =	sshrl.u32 s6, $0x3  }
0xa: {  	s31 =	ssub.s32 s8, s9;
	s7 =	sadd.s32 s5, s7;
	s8 =	simm.s32 $0x80  }
0xb: {  	s9 =	simm.s32 $0x1000;
	s4 =	sadd.s32 s6, s4;
	s5 =	smax.u32 s31, $0x1  }
0xc: {  	s6 =	sadd.s32 $0x449600, s7;
	s7 =	simm.s32 $0x5;
	s4 =	sadd.s32 $0x244E00, s4  }
.LBB2_1:
0xd: {  	[tilespmem:s2], [sflag:$0x5] =	stream.linear.gather [hbm4b:s4+s2], $0x1000, $0x38;
	[tilespmem:$0x9000] =	vst v63  }
0xe: {  	_ =	swait.ge [sflag:s7], $0x1000  }
0xf: {  	[sflag:s7] =	ssyncset.done $0x0  }
0x10: {  	s16 =	simm.s32 $0x0;
	[sflag:s7] =	ssyncadd.s32 $0xFFFFF000  }
0x11: {  	[tilespmem:s9], [sflag:$0x1] =	stream.indirect.gather [hbm4b:s3+s8], $0x80, s16, s8, $0xb8;
	[tilespmem:$0x9000] =	vst v63  }
0x12: {  	s30 =	simm.s32 $0x80  }
0x13: {  	[tilespmem:s10], [sflag:$0x2] =	stream.indirect.gather [hbm4b:s3+s8], $0x80, s30, s8, $0xb8;
	[tilespmem:$0x9000] =	vst v63  }
0x14: {  	_ =	swait.ge [sflag:s11], $0x4000  }
0x15: {  	[sflag:s11] =	ssyncset.done $0x0  }
0x16: {  	s31 =	sadd.s32 $0xFFFFF800, s6;
	[sflag:s11] =	ssyncadd.s32 $0xFFFFC000  }
0x17: {  	[hbm4b:s31+s2] =	stream.linear.scatter [tilespmem:s9], [sflag:$0x3], $0x4000, $0x38;
	[tilespmem:$0x9000] =	vst v63  }
0x18: {  	_ =	swait.ge [sflag:s12], $0x4000  }
0x19: {  	[sflag:s12] =	ssyncset.done $0x0  }
0x1a: {  	[sflag:s12] =	ssyncadd.s32 $0xFFFFC000  }
0x1b: {  	[hbm4b:s6+s2] =	stream.linear.scatter [tilespmem:s10], [sflag:$0x4], $0x4000, $0x38;
	[tilespmem:$0x9000] =	vst v63  }
0x1c: {  	_ =	swait.ge [sflag:s13], $0x4000  }
0x1d: {  	[sflag:s13] =	ssyncset.done $0x0  }
0x1e: {  	[sflag:s13] =	ssyncadd.s32 $0xFFFFC000  }
0x1f: {  	s17 =	simm.s32 $0x400;
	_ =	swait.ge [sflag:s14], $0x4000  }
0x20: {  	s18 =	simm.s32 $0x800;
	s16 =	sadd.s32 $0x1000, s6;
	[sflag:s14] =	ssyncset.done $0x0  }
.LBB2_2:
0x21: {  	s19 =	sshra.s32 s17, $0x2  }
0x22: {  	[sflag:s14] =	ssyncadd.s32 $0xFFFFC000;
	s17 =	smov.u32 s18;
	s20 =	sadd.s32 $0x400, s18  }
0x23: {  	[tilespmem:s9], [sflag:$0x1] =	stream.indirect.gather [hbm4b:s3+s8], $0x80, s19, s8, $0xb8;
	[tilespmem:$0x9000] =	vst v63  }
0x24: {  	p0 =	sne.s32 s18, $0x3C00;
	s18 =	sadd.s32 $0x80, s19  }
0x25: {  	[tilespmem:s10], [sflag:$0x2] =	stream.indirect.gather [hbm4b:s3+s8], $0x80, s18, s8, $0xb8;
	[tilespmem:$0x9000] =	vst v63  }
0x26: {  	_ =	swait.ge [sflag:s11], $0x4000  }
0x27: {  	[sflag:s11] =	ssyncset.done $0x0  }
0x28: {  	s18 =	sadd.s32 $0xFFFFF800, s16;
	[sflag:s11] =	ssyncadd.s32 $0xFFFFC000  }
0x29: {  	[hbm4b:s18+s2] =	stream.linear.scatter [tilespmem:s9], [sflag:$0x3], $0x4000, $0x38;
	[tilespmem:$0x9000] =	vst v63  }
0x2a: {  	_ =	swait.ge [sflag:s12], $0x4000  }
0x2b: {  	[sflag:s12] =	ssyncset.done $0x0  }
0x2c: {  	[sflag:s12] =	ssyncadd.s32 $0xFFFFC000  }
0x2d: {  	[hbm4b:s16+s2] =	stream.linear.scatter [tilespmem:s10], [sflag:$0x4], $0x4000, $0x38;
	[tilespmem:$0x9000] =	vst v63  }
.Ltmp0:
0x2e: {  	_ =	swait.ge [sflag:s13], $0x4000;
	(pc) =	sbr.rel @p0 .LBB2_2-.Ltmp0, $4  }
0x2f: {  	[sflag:s13] =	ssyncset.done $0x0  }
0x30: {  	[sflag:s13] =	ssyncadd.s32 $0xFFFFC000  }
0x31: {  	_ =	swait.ge [sflag:s14], $0x4000  }
0x32: {  	s18 =	smov.u32 s20;
	s16 =	sadd.s32 $0x1000, s16;
	[sflag:s14] =	ssyncset.done $0x0  }
0x33: {  	s17 =	sshra.s32 s17, $0x2;
	[sflag:s14] =	ssyncadd.s32 $0xFFFFC000  }
0x34: {  	[tilespmem:s9], [sflag:$0x1] =	stream.indirect.gather [hbm4b:s3+s8], $0x80, s17, s8, $0xb8;
	[tilespmem:$0x9000] =	vst v63  }
0x35: {  	s17 =	sadd.s32 $0x80, s17  }
0x36: {  	[tilespmem:s10], [sflag:$0x2] =	stream.indirect.gather [hbm4b:s3+s8], $0x80, s17, s8, $0xb8;
	[tilespmem:$0x9000] =	vst v63  }
0x37: {  	_ =	swait.ge [sflag:s11], $0x4000  }
0x38: {  	[sflag:s11] =	ssyncset.done $0x0  }
0x39: {  	s31 =	sadd.s32 $0xFFFFF800, s16;
	[sflag:s11] =	ssyncadd.s32 $0xFFFFC000  }
0x3a: {  	[hbm4b:s31+s2] =	stream.linear.scatter [tilespmem:s9], [sflag:$0x3], $0x4000, $0x38;
	[tilespmem:$0x9000] =	vst v63  }
0x3b: {  	_ =	swait.ge [sflag:s12], $0x4000  }
0x3c: {  	[sflag:s12] =	ssyncset.done $0x0  }
0x3d: {  	s15 =	sadd.s32 $0x1, s15;
	[sflag:s12] =	ssyncadd.s32 $0xFFFFC000  }
0x3e: {  	[hbm4b:s16+s2] =	stream.linear.scatter [tilespmem:s10], [sflag:$0x4], $0x4000, $0x38;
	[tilespmem:$0x9000] =	vst v63  }
0x3f: {  	p0 =	sne.s32 s15, s5;
	_ =	swait.ge [sflag:s13], $0x4000  }
.Ltmp1:
0x40: {  	[sflag:s13] =	ssyncset.done $0x0;
	(pc) =	sbr.rel @p0 .LBB2_1-.Ltmp1, $4  }
0x41: {  	[sflag:s13] =	ssyncadd.s32 $0xFFFFC000  }
0x42: {  	_ =	swait.ge [sflag:s14], $0x4000  }
0x43: {  	[sflag:s14] =	ssyncset.done $0x0  }
0x44: {  	[sflag:s14] =	ssyncadd.s32 $0xFFFFC000  }
0x45: {  	_ =	sfence.sel $0x180000  }
0x46: {  	[bflag:$0x0] =	sbarrier.arrive $0xFFFF  }
0x47: {  	p0 =	sne.s32 s1, $0x0;
	_ =	strace $0x9000004D  }
0x48: {  	s0 =	sadd.s32 @!p0 $0x100000, s0;
	[bflag:$0x2] =	sbarrier.arrive $0xFFFF  }
0x49: {  	[sflag:s0] =	ssyncadd.tile.s32 @!p0 $0x1;
	_ =	shalt  }
.Lfunc_end2:
_tile_overlayer_lowered:
.L_overlay_start_2:
0x4a: {  	(tag) =	ssettag $0x2  }
0x4b: {  	s0 =	rddreg [dreg:$0x0];
	s2 =	stileid.u32  }
0x4c: {  	s1 =	rddreg [dreg:$0x1];
	p0 =	sne.s32 s2, $0x0  }
0x4d: {  	s3 =	rddreg [dreg:$0x2];
	[bflag:$0x3] =	sbarrier.arrive $0xFFFF;
	s2 =	simm.s32 @!p0 $0x1C05  }
0x4e: {  	[timem:s3], [sflag:s2] =	dma.local @!p0 [hbm:s0], s1  }
0x4f: {  	s0 =	simm.s32 @!p0 $0x5  }
0x50: {  	_ =	swait.ge @!p0 [sflag:s0], s1  }
0x51: {  	s1 =	ssub.s32 @!p0 $0x0, s1;
	[sflag:s0] =	ssyncset.done @!p0 $0x0  }
0x52: {  	[sflag:s0] =	ssyncadd.s32 @!p0 s1  }
0x53: {  	[bflag:$0x3] =	sbarrier.arrive $0xFFFF  }
0x54: {  	_ =	shalt  }

</sc_bundles>
